<compile_context>
chip_gen: v7x
topology: tpu7x:2x2x1
jax: 0.10.2.dev20260603
libtpu: 0.0.44.dev20260713+nightly
codegen_flags: <defaults>
</compile_context>

<pallas_src>
import functools

import jax
import jax.numpy as jnp
from jax import lax
from jax.experimental import pallas as pl
from jax.experimental.pallas import tpu as pltpu
from jax.experimental.pallas import tpu_sc as plsc

N = 10000
E = 320000
F_IN = 128
HID = 128
CLS = 40

NC = 2
NS = 16
NW = NC * NS

CHUNK = 128
ROWS_PER_WORKER = 80
E_PAD = NW * ROWS_PER_WORKER * CHUNK
N_PAD = N + 8

TILE_ROWS = 624
REM_ROWS = N - TILE_ROWS * NS
REM_R0 = TILE_ROWS * NS

BLK = 1024


def _sc_mesh():
    return plsc.VectorSubcoreMesh(core_axis_name="c", subcore_axis_name="s")


E_PER_W = E_PAD // NW
HIST_PAD = 10240


@functools.partial(
    pl.kernel,
    mesh=_sc_mesh(),
    compiler_params=pltpu.CompilerParams(use_tc_tiling_on_sc=False,
                                         needs_layout_passes=False),
    out_type=jax.ShapeDtypeStruct((NW, HIST_PAD), jnp.float32),
    scratch_types=[
        pltpu.VMEM((E_PER_W,), jnp.int32),
        pltpu.VMEM((HIST_PAD,), jnp.float32),
    ],
)
def _sc_degree(dst_hbm, out_hbm, dst_v, hist):
    cid = lax.axis_index("c")
    sid = lax.axis_index("s")
    wid = cid * NS + sid

    @pl.loop(0, HIST_PAD // 16)
    def _(i):
        hist[pl.ds(i * 16, 16)] = jnp.zeros((16,), jnp.float32)

    pltpu.sync_copy(dst_hbm.at[wid], dst_v)
    one16 = jnp.full((16,), 1.0, jnp.float32)

    @pl.loop(0, E_PER_W // 16)
    def _(k):
        idx = dst_v[pl.ds(k * 16, 16)]
        plsc.addupdate_scatter(hist, [idx], one16)

    pltpu.sync_copy(hist, out_hbm.at[wid])


def _make_sc_aggregate(d, ch):
    rpw = E_PER_W // ch

    @functools.partial(
        pl.kernel,
        mesh=_sc_mesh(),
        compiler_params=pltpu.CompilerParams(use_tc_tiling_on_sc=False),
        out_type=jax.ShapeDtypeStruct((NC * N, d), jnp.float32),
        scratch_types=[
            pltpu.VMEM((rpw, ch), jnp.int32),
            pltpu.VMEM((rpw, ch), jnp.int32),
            pltpu.VMEM((2 * ch, d), jnp.float32),
            pltpu.VMEM_SHARED((N, d), jnp.float32),
            pltpu.SemaphoreType.DMA,
            pltpu.SemaphoreType.DMA,
        ],
    )
    def agg(y_hbm, src_hbm, dst_hbm, out_hbm, src_v, dst_v, rows_v, acc_sh,
            sem_a, sem_b):
        bufs = (rows_v.at[pl.ds(0, ch)], rows_v.at[pl.ds(ch, ch)])
        sems = (sem_a, sem_b)
        cid = lax.axis_index("c")
        sid = lax.axis_index("s")
        wid = cid * NS + sid
        r0 = sid * TILE_ROWS
        pltpu.sync_copy(y_hbm.at[pl.ds(r0, TILE_ROWS)],
                        acc_sh.at[pl.ds(r0, TILE_ROWS)])

        @pl.when(sid == NS - 1)
        def _():
            pltpu.sync_copy(y_hbm.at[pl.ds(REM_R0, REM_ROWS)],
                            acc_sh.at[pl.ds(REM_R0, REM_ROWS)])

        pltpu.sync_copy(src_hbm.at[wid], src_v)
        pltpu.sync_copy(dst_hbm.at[wid], dst_v)
        plsc.subcore_barrier()

        def gather(j, b):
            pltpu.async_copy(y_hbm.at[src_v.at[j]], bufs[b], sems[b])

        def gwait(b):
            pltpu.make_async_copy(y_hbm.at[src_v.at[0]], bufs[b],
                                  sems[b]).wait()

        gather(0, 0)

        @pl.loop(0, rpw // 2)
        def _(i):
            j0 = 2 * i
            gather(j0 + 1, 1)
            gwait(0)
            pltpu.sync_copy(bufs[0], acc_sh.at[dst_v.at[j0]], add=True)
            gather(lax.rem(j0 + 2, rpw), 0)
            gwait(1)
            pltpu.sync_copy(bufs[1], acc_sh.at[dst_v.at[j0 + 1]], add=True)

        gwait(0)

        plsc.subcore_barrier()
        pltpu.sync_copy(acc_sh.at[pl.ds(r0, TILE_ROWS)],
                        out_hbm.at[pl.ds(cid * N + r0, TILE_ROWS)])

        @pl.when(sid == NS - 1)
        def _():
            pltpu.sync_copy(acc_sh.at[pl.ds(REM_R0, REM_ROWS)],
                            out_hbm.at[pl.ds(cid * N + REM_R0, REM_ROWS)])

    return agg


_sc_agg1 = _make_sc_aggregate(HID, ch=80)
_sc_agg2 = _make_sc_aggregate(CLS, ch=128)


def _row_mask(shape):
    base = pl.program_id(0) * BLK
    rows = base + lax.broadcasted_iota(jnp.int32, shape, 0)
    return rows < N


def _tc1_body(dp_ref, x_ref, w1_ref, y1_ref, dinv_ref):
    deg = jnp.sum(dp_ref[...], axis=0, keepdims=True) + 1.0
    dinv = lax.rsqrt(deg).reshape(BLK, 1)
    xw = jnp.dot(x_ref[...], w1_ref[...], preferred_element_type=jnp.float32)
    y1_ref[...] = jnp.where(_row_mask((BLK, 1)), dinv * xw, 0.0)
    dinv_ref[...] = jnp.broadcast_to(dinv, dinv_ref.shape)


_tc1 = pl.pallas_call(
    _tc1_body,
    grid=(pl.cdiv(N, BLK),),
    in_specs=[
        pl.BlockSpec((NW, BLK), lambda i: (0, i)),
        pl.BlockSpec((BLK, F_IN), lambda i: (i, 0)),
        pl.BlockSpec((F_IN, HID), lambda i: (0, 0)),
    ],
    out_specs=[
        pl.BlockSpec((BLK, HID), lambda i: (i, 0)),
        pl.BlockSpec((BLK, 8), lambda i: (i, 0)),
    ],
    out_shape=[
        jax.ShapeDtypeStruct((N_PAD, HID), jnp.float32),
        jax.ShapeDtypeStruct((N, 8), jnp.float32),
    ],
)


def _tc2_body(pa_ref, pb_ref, y1_ref, dinv_ref, b1_ref, w2_ref, y2_ref):
    dinv = dinv_ref[:, :1]
    a1 = pa_ref[...] + pb_ref[...] - y1_ref[...]
    h = jnp.maximum(dinv * a1 + b1_ref[...], 0.0)
    y2 = dinv * jnp.dot(h, w2_ref[...], preferred_element_type=jnp.float32)
    y2_ref[...] = jnp.where(_row_mask((BLK, 1)), y2, 0.0)


_tc2 = pl.pallas_call(
    _tc2_body,
    grid=(pl.cdiv(N, BLK),),
    in_specs=[
        pl.BlockSpec((BLK, HID), lambda i: (i, 0)),
        pl.BlockSpec((BLK, HID), lambda i: (i, 0)),
        pl.BlockSpec((BLK, HID), lambda i: (i, 0)),
        pl.BlockSpec((BLK, 8), lambda i: (i, 0)),
        pl.BlockSpec((1, HID), lambda i: (0, 0)),
        pl.BlockSpec((HID, CLS), lambda i: (0, 0)),
    ],
    out_specs=pl.BlockSpec((BLK, CLS), lambda i: (i, 0)),
    out_shape=jax.ShapeDtypeStruct((N_PAD, CLS), jnp.float32),
)


def _tc3_body(pa_ref, pb_ref, y2_ref, dinv_ref, b2_ref, out_ref):
    dinv = dinv_ref[:, :1]
    z = dinv * (pa_ref[...] + pb_ref[...] - y2_ref[...]) + b2_ref[...]
    m = jnp.max(z, axis=1, keepdims=True)
    lse = m + jnp.log(jnp.sum(jnp.exp(z - m), axis=1, keepdims=True))
    out_ref[...] = z - lse


_tc3 = pl.pallas_call(
    _tc3_body,
    grid=(pl.cdiv(N, BLK),),
    in_specs=[
        pl.BlockSpec((BLK, CLS), lambda i: (i, 0)),
        pl.BlockSpec((BLK, CLS), lambda i: (i, 0)),
        pl.BlockSpec((BLK, CLS), lambda i: (i, 0)),
        pl.BlockSpec((BLK, 8), lambda i: (i, 0)),
        pl.BlockSpec((1, CLS), lambda i: (0, 0)),
    ],
    out_specs=pl.BlockSpec((BLK, CLS), lambda i: (i, 0)),
    out_shape=jax.ShapeDtypeStruct((N, CLS), jnp.float32),
)


def kernel(x, edge_index, W1, b1, W2, b2):
    ei = edge_index.astype(jnp.int32)
    ppw = E_PER_W - E // NW
    srcw = ei[0].reshape(NW, E // NW)
    dstw = ei[1].reshape(NW, E // NW)
    pad_src = N + jnp.tile(jnp.arange(8, dtype=jnp.int32), (NW, ppw // 8))
    pad_dst = jnp.arange(NW * ppw, dtype=jnp.int32).reshape(NW, ppw)
    src_flat = jnp.concatenate([srcw, pad_src], axis=1)
    dst_flat = jnp.concatenate([dstw, pad_dst], axis=1)
    src3d_a = src_flat.reshape(NW, E_PER_W // 80, 80)
    dst3d_a = dst_flat.reshape(NW, E_PER_W // 80, 80)
    src3d = src_flat.reshape(NW, ROWS_PER_WORKER, CHUNK)
    dst3d = dst_flat.reshape(NW, ROWS_PER_WORKER, CHUNK)
    dst2d = jnp.concatenate(
        [dstw, jnp.full((NW, ppw), N, jnp.int32)], axis=1)

    degp = _sc_degree(dst2d)
    y1, dinv8 = _tc1(degp, x, W1)
    p1 = _sc_agg1(y1, src3d_a, dst3d_a)
    y2 = _tc2(p1[:N], p1[N:], y1, dinv8,
              b1.reshape(1, HID), W2)
    p2 = _sc_agg2(y2, src3d, dst3d)
    return _tc3(p2[:N], p2[N:], y2, dinv8, b2.reshape(1, CLS))

# --- scband reference (transcript-rebuilt; emitter-appended) ---
"""Pipeline reference for scband-gcn-net-38156489457767 (READ-ONLY COPY).

The authoritative reference and input builder live on the scoring server;
editing this copy changes nothing except your own understanding.
"""

import jax, jax.numpy as jnp
import numpy as np

N = 10000
E = 320000
F_IN = 128
HID = 128
CLS = 40


def setup_inputs(seed: int = 0) -> dict:
    key = jax.random.key(seed)
    k1, k2, k3, k4 = jax.random.split(key, 4)
    x = jax.random.normal(k1, (N, F_IN), dtype=jnp.float32)
    edge_index = jax.random.randint(k2, (2, E), 0, N)
    # GCNConv learned parameters (glorot-style init), bias zeros like PyG default
    W1 = jax.random.normal(k3, (F_IN, HID), dtype=jnp.float32) * (1.0 / np.sqrt(F_IN))
    b1 = jnp.zeros((HID,), dtype=jnp.float32)
    W2 = jax.random.normal(k4, (HID, CLS), dtype=jnp.float32) * (1.0 / np.sqrt(HID))
    b2 = jnp.zeros((CLS,), dtype=jnp.float32)
    return {"x": x, "edge_index": edge_index, "W1": W1, "b1": b1, "W2": W2, "b2": b2}


def _gcn_conv(x, edge_index, W, b):
    # GCNConv: D^{-1/2} (A + I) D^{-1/2} X W + b
    n = x.shape[0]
    loop = jnp.arange(n, dtype=edge_index.dtype)
    src = jnp.concatenate([edge_index[0], loop])
    dst = jnp.concatenate([edge_index[1], loop])
    deg = jnp.zeros((n,), dtype=x.dtype).at[dst].add(1.0)
    dinv = jax.lax.rsqrt(deg)  # deg >= 1 due to self loops
    norm = dinv[src] * dinv[dst]
    xw = x @ W
    msg = jnp.take(xw, src, axis=0) * norm[:, None]
    out = jnp.zeros((n, W.shape[1]), dtype=x.dtype).at[dst].add(msg)
    return out + b


def reference(x, edge_index, W1, b1, W2, b2):
    h = _gcn_conv(x, edge_index, W1, b1)
    h = jax.nn.relu(h)
    # F.dropout(training=self.training): identity in eval / reference mode
    h = _gcn_conv(h, edge_index, W2, b2)
    return jax.nn.log_softmax(h, axis=1)

if __name__ == "__main__":
    import jax
    _d = setup_inputs()
    print(jax.jit(kernel)(*tuple(_d.values())))

</pallas_src>

<mosaic_0001>
#map = affine_map<(d0, d1) -> (0, 0)>
module attributes {stable_mosaic.version = 14 : i64} {
  func.func @_sc_degree(%arg0: i32, %arg1: i32, %arg2: memref<32x10240xi32, #tpu.memory_space<hbm>>, %arg3: memref<32x10240xf32, #tpu.memory_space<hbm>>, %arg4: memref<10240xi32, #tpu.memory_space<vmem>>, %arg5: memref<10240xf32, #tpu.memory_space<vmem>>) attributes {dimension_semantics = [#tpu.dimension_semantics<core_parallel>, #tpu.dimension_semantics<subcore_parallel>], iteration_bounds = array<i64: 2, 16>, scalar_prefetch = 0 : i64, scratch_operands = 2 : i64, tpu.core_type = #tpu.core_type<sc_vector_subcore>, window_params = [{transform_indices = #map}, {transform_indices = #map}]} {
    %mul3A = arith.constant 16 : i32
    %mul3A_0 = arith.muli %arg0, %mul3A : i32
    %add3A = arith.addi %mul3A_0, %arg1 : i32
    %scan3A = arith.constant 0 : i32
    %scan3A_1 = arith.constant 640 : i32
    %scan3A_2 = arith.addi %scan3A, %scan3A_1 : i32
    %scan3A_3 = arith.constant 1 : i32
    scf.for %scan3A_11 = %scan3A to %scan3A_2 step %scan3A_3  : i32 {
      %mul3A_12 = arith.constant 1 : i32
      %mul3A_13 = arith.muli %scan3A_11, %mul3A_12 : i32
      %add3A_14 = arith.constant 0 : i32
      %add3A_15 = arith.addi %add3A_14, %mul3A_13 : i32
      %broadcast_in_dim3A_16 = arith.constant 0.000000e+00 : f32
      %broadcast_in_dim3A_17 = vector.broadcast %broadcast_in_dim3A_16 : f32 to vector<16xf32>
      %mul3A_18 = arith.constant 16 : i32
      %mul3A_19 = arith.muli %add3A_15, %mul3A_18 : i32
      %swap3A = arith.index_cast %mul3A_19 : i32 to index
      %swap3A_20 = tpu.vector_load %arg5[%swap3A] {strides = array<i32>} : memref<10240xf32, #tpu.memory_space<vmem>>, vector<16xf32>,
      tpu.vector_store %arg5[%swap3A], %broadcast_in_dim3A_17 {strides = array<i32>} : memref<10240xf32, #tpu.memory_space<vmem>>, vector<16xf32>,
    }
    %scan3A_4 = arith.constant 640 : i32
    "tpu.region"() ({
      %run_scoped3A = tpu.sem_alloc : memref<!tpu.dma_semaphore, #tpu.memory_space<semaphore_mem>>
      %dma_start3A = arith.constant 0 : i32
      %dma_start3A_11 = tpu.memref_slice %arg2[%add3A, %dma_start3A] : memref<32x10240xi32, #tpu.memory_space<hbm>> -> memref<1x10240xi32, #tpu.memory_space<hbm>>
      %dma_start3A_12 = tpu.memref_squeeze %dma_start3A_11 : memref<1x10240xi32, #tpu.memory_space<hbm>> -> memref<10240xi32, #tpu.memory_space<hbm>>
      %dma_start3A_13 = arith.constant 0 : i32
      %dma_start3A_14 = tpu.memref_slice %arg2[%add3A, %dma_start3A_13] : memref<32x10240xi32, #tpu.memory_space<hbm>> -> memref<1x10240xi32, #tpu.memory_space<hbm>>
      %dma_start3A_15 = tpu.memref_squeeze %dma_start3A_14 : memref<1x10240xi32, #tpu.memory_space<hbm>> -> memref<10240xi32, #tpu.memory_space<hbm>>
      tpu.enqueue_dma source(%dma_start3A_15 : memref<10240xi32, #tpu.memory_space<hbm>>) target(%arg4 : memref<10240xi32, #tpu.memory_space<vmem>>) target_semaphore(%run_scoped3A : memref<!tpu.dma_semaphore, #tpu.memory_space<semaphore_mem>>)
      %dma_wait3A = arith.constant 0 : i32
      %dma_wait3A_16 = tpu.memref_slice %arg2[%add3A, %dma_wait3A] : memref<32x10240xi32, #tpu.memory_space<hbm>> -> memref<1x10240xi32, #tpu.memory_space<hbm>>
      %dma_wait3A_17 = tpu.memref_squeeze %dma_wait3A_16 : memref<1x10240xi32, #tpu.memory_space<hbm>> -> memref<10240xi32, #tpu.memory_space<hbm>>
      %dma_wait3A_18 = arith.constant 0 : i32
      %dma_wait3A_19 = tpu.memref_slice %arg2[%add3A, %dma_wait3A_18] : memref<32x10240xi32, #tpu.memory_space<hbm>> -> memref<1x10240xi32, #tpu.memory_space<hbm>>
      %dma_wait3A_20 = tpu.memref_squeeze %dma_wait3A_19 : memref<1x10240xi32, #tpu.memory_space<hbm>> -> memref<10240xi32, #tpu.memory_space<hbm>>
      tpu.wait_dma2 semaphore(%run_scoped3A : memref<!tpu.dma_semaphore, #tpu.memory_space<semaphore_mem>>) src(%dma_wait3A_20 : memref<10240xi32, #tpu.memory_space<hbm>>) dst(%arg4 : memref<10240xi32, #tpu.memory_space<vmem>>)
      tpu.yield
    }) : () -> ()
    %broadcast_in_dim3A = arith.constant 1.000000e+00 : f32
    %broadcast_in_dim3A_5 = vector.broadcast %broadcast_in_dim3A : f32 to vector<16xf32>
    %scan3A_6 = arith.constant 0 : i32
    %scan3A_7 = arith.constant 640 : i32
    %scan3A_8 = arith.addi %scan3A_6, %scan3A_7 : i32
    %scan3A_9 = arith.constant 1 : i32
    scf.for %scan3A_11 = %scan3A_6 to %scan3A_8 step %scan3A_9  : i32 {
      %mul3A_12 = arith.constant 1 : i32
      %mul3A_13 = arith.muli %scan3A_11, %mul3A_12 : i32
      %add3A_14 = arith.constant 0 : i32
      %add3A_15 = arith.addi %add3A_14, %mul3A_13 : i32
      %mul3A_16 = arith.constant 16 : i32
      %mul3A_17 = arith.muli %add3A_15, %mul3A_16 : i32
      %get3A = arith.index_cast %mul3A_17 : i32 to index
      %get3A_18 = tpu.vector_load %arg4[%get3A] {strides = array<i32>} : memref<10240xi32, #tpu.memory_space<vmem>>, vector<16xi32>,
      tpu.vector_store_idx %arg5[%get3A_18], %broadcast_in_dim3A_5 {add = true} : memref<10240xf32, #tpu.memory_space<vmem>>[vector<16xi32>], vector<16xf32>,
    }
    %scan3A_10 = arith.constant 640 : i32
    "tpu.region"() ({
      %run_scoped3A = tpu.sem_alloc : memref<!tpu.dma_semaphore, #tpu.memory_space<semaphore_mem>>
      %dma_start3A = arith.constant 0 : i32
      %dma_start3A_11 = tpu.memref_slice %arg3[%add3A, %dma_start3A] : memref<32x10240xf32, #tpu.memory_space<hbm>> -> memref<1x10240xf32, #tpu.memory_space<hbm>>
      %dma_start3A_12 = tpu.memref_squeeze %dma_start3A_11 : memref<1x10240xf32, #tpu.memory_space<hbm>> -> memref<10240xf32, #tpu.memory_space<hbm>>
      %dma_start3A_13 = arith.constant 0 : i32
      %dma_start3A_14 = tpu.memref_slice %arg3[%add3A, %dma_start3A_13] : memref<32x10240xf32, #tpu.memory_space<hbm>> -> memref<1x10240xf32, #tpu.memory_space<hbm>>
      %dma_start3A_15 = tpu.memref_squeeze %dma_start3A_14 : memref<1x10240xf32, #tpu.memory_space<hbm>> -> memref<10240xf32, #tpu.memory_space<hbm>>
      tpu.enqueue_dma source(%arg5 : memref<10240xf32, #tpu.memory_space<vmem>>) target(%dma_start3A_15 : memref<10240xf32, #tpu.memory_space<hbm>>) target_semaphore(%run_scoped3A : memref<!tpu.dma_semaphore, #tpu.memory_space<semaphore_mem>>)
      %dma_wait3A = arith.constant 0 : i32
      %dma_wait3A_16 = tpu.memref_slice %arg3[%add3A, %dma_wait3A] : memref<32x10240xf32, #tpu.memory_space<hbm>> -> memref<1x10240xf32, #tpu.memory_space<hbm>>
      %dma_wait3A_17 = tpu.memref_squeeze %dma_wait3A_16 : memref<1x10240xf32, #tpu.memory_space<hbm>> -> memref<10240xf32, #tpu.memory_space<hbm>>
      %dma_wait3A_18 = arith.constant 0 : i32
      %dma_wait3A_19 = tpu.memref_slice %arg3[%add3A, %dma_wait3A_18] : memref<32x10240xf32, #tpu.memory_space<hbm>> -> memref<1x10240xf32, #tpu.memory_space<hbm>>
      %dma_wait3A_20 = tpu.memref_squeeze %dma_wait3A_19 : memref<1x10240xf32, #tpu.memory_space<hbm>> -> memref<10240xf32, #tpu.memory_space<hbm>>
      tpu.wait_dma2 semaphore(%run_scoped3A : memref<!tpu.dma_semaphore, #tpu.memory_space<semaphore_mem>>) src(%arg5 : memref<10240xf32, #tpu.memory_space<vmem>>) dst(%dma_wait3A_20 : memref<10240xf32, #tpu.memory_space<hbm>>)
      tpu.yield
    }) : () -> ()
    return
  }
}

#map = affine_map<(d0, d1) -> (0, 0)>
#map1 = affine_map<(d0, d1) -> (0, 0, 0)>
module attributes {stable_mosaic.version = 14 : i64} {
  func.func @agg(%arg0: i32, %arg1: i32, %arg2: memref<10008x128xf32, #tpu.memory_space<hbm>>, %arg3: memref<32x128x80xi32, #tpu.memory_space<hbm>>, %arg4: memref<32x128x80xi32, #tpu.memory_space<hbm>>, %arg5: memref<20000x128xf32, #tpu.memory_space<hbm>>, %arg6: memref<128x80xi32, #tpu.memory_space<vmem>>, %arg7: memref<128x80xi32, #tpu.memory_space<vmem>>, %arg8: memref<160x128xf32, #tpu.memory_space<vmem>>, %arg9: memref<10000x128xf32, #tpu.memory_space<vmem_shared>>, %arg10: memref<!tpu.dma_semaphore, #tpu.memory_space<semaphore_mem>>, %arg11: memref<!tpu.dma_semaphore, #tpu.memory_space<semaphore_mem>>) attributes {dimension_semantics = [#tpu.dimension_semantics<core_parallel>, #tpu.dimension_semantics<subcore_parallel>], iteration_bounds = array<i64: 2, 16>, scalar_prefetch = 0 : i64, scratch_operands = 6 : i64, tpu.core_type = #tpu.core_type<sc_vector_subcore>, window_params = [{transform_indices = #map}, {transform_indices = #map1}, {transform_indices = #map1}, {transform_indices = #map}]} {
    %mul3A = arith.constant 16 : i32
    %mul3A_0 = arith.muli %arg0, %mul3A : i32
    %add3A = arith.addi %mul3A_0, %arg1 : i32
    %mul3A_1 = arith.constant 624 : i32
    %mul3A_2 = arith.muli %arg1, %mul3A_1 : i32
    "tpu.region"() ({
      %run_scoped3A = tpu.sem_alloc : memref<!tpu.dma_semaphore, #tpu.memory_space<semaphore_mem>>
      %dma_start3A_36 = arith.constant 0 : i32
      %dma_start3A_37 = tpu.memref_slice %arg9[%mul3A_2, %dma_start3A_36] : memref<10000x128xf32, #tpu.memory_space<vmem_shared>> -> memref<624x128xf32, #tpu.memory_space<vmem_shared>>
      %dma_start3A_38 = arith.constant 0 : i32
      %dma_start3A_39 = tpu.memref_slice %arg2[%mul3A_2, %dma_start3A_38] : memref<10008x128xf32, #tpu.memory_space<hbm>> -> memref<624x128xf32, #tpu.memory_space<hbm>>
      tpu.enqueue_dma source(%dma_start3A_39 : memref<624x128xf32, #tpu.memory_space<hbm>>) target(%dma_start3A_37 : memref<624x128xf32, #tpu.memory_space<vmem_shared>>) target_semaphore(%run_scoped3A : memref<!tpu.dma_semaphore, #tpu.memory_space<semaphore_mem>>)
      %dma_wait3A_40 = arith.constant 0 : i32
      %dma_wait3A_41 = tpu.memref_slice %arg9[%mul3A_2, %dma_wait3A_40] : memref<10000x128xf32, #tpu.memory_space<vmem_shared>> -> memref<624x128xf32, #tpu.memory_space<vmem_shared>>
      %dma_wait3A_42 = arith.constant 0 : i32
      %dma_wait3A_43 = tpu.memref_slice %arg2[%mul3A_2, %dma_wait3A_42] : memref<10008x128xf32, #tpu.memory_space<hbm>> -> memref<624x128xf32, #tpu.memory_space<hbm>>
      tpu.wait_dma2 semaphore(%run_scoped3A : memref<!tpu.dma_semaphore, #tpu.memory_space<semaphore_mem>>) src(%dma_wait3A_43 : memref<624x128xf32, #tpu.memory_space<hbm>>) dst(%dma_wait3A_41 : memref<624x128xf32, #tpu.memory_space<vmem_shared>>)
      tpu.yield
    }) : () -> ()
    %eq3A = arith.constant 15 : i32
    %eq3A_3 = arith.cmpi eq, %arg1, %eq3A : i32
    %convert_element_type3A = arith.extui %eq3A_3 : i1 to i32
    %cond3A = arith.constant 0 : i32
    %cond3A_4 = arith.cmpi ne, %convert_element_type3A, %cond3A : i32
    scf.if %cond3A_4 {
      "tpu.region"() ({
        %run_scoped3A = tpu.sem_alloc : memref<!tpu.dma_semaphore, #tpu.memory_space<semaphore_mem>>
        %dma_start3A_36 = arith.constant 9984 : i32
        %dma_start3A_37 = arith.constant 0 : i32
        %dma_start3A_38 = tpu.memref_slice %arg9[%dma_start3A_36, %dma_start3A_37] : memref<10000x128xf32, #tpu.memory_space<vmem_shared>> -> memref<16x128xf32, #tpu.memory_space<vmem_shared>>
        %dma_start3A_39 = arith.constant 9984 : i32
        %dma_start3A_40 = arith.constant 0 : i32
        %dma_start3A_41 = tpu.memref_slice %arg2[%dma_start3A_39, %dma_start3A_40] : memref<10008x128xf32, #tpu.memory_space<hbm>> -> memref<16x128xf32, #tpu.memory_space<hbm>>
        tpu.enqueue_dma source(%dma_start3A_41 : memref<16x128xf32, #tpu.memory_space<hbm>>) target(%dma_start3A_38 : memref<16x128xf32, #tpu.memory_space<vmem_shared>>) target_semaphore(%run_scoped3A : memref<!tpu.dma_semaphore, #tpu.memory_space<semaphore_mem>>)
        %dma_wait3A_42 = arith.constant 9984 : i32
        %dma_wait3A_43 = arith.constant 0 : i32
        %dma_wait3A_44 = tpu.memref_slice %arg9[%dma_wait3A_42, %dma_wait3A_43] : memref<10000x128xf32, #tpu.memory_space<vmem_shared>> -> memref<16x128xf32, #tpu.memory_space<vmem_shared>>
        %dma_wait3A_45 = arith.constant 9984 : i32
        %dma_wait3A_46 = arith.constant 0 : i32
        %dma_wait3A_47 = tpu.memref_slice %arg2[%dma_wait3A_45, %dma_wait3A_46] : memref<10008x128xf32, #tpu.memory_space<hbm>> -> memref<16x128xf32, #tpu.memory_space<hbm>>
        tpu.wait_dma2 semaphore(%run_scoped3A : memref<!tpu.dma_semaphore, #tpu.memory_space<semaphore_mem>>) src(%dma_wait3A_47 : memref<16x128xf32, #tpu.memory_space<hbm>>) dst(%dma_wait3A_44 : memref<16x128xf32, #tpu.memory_space<vmem_shared>>)
        tpu.yield
      }) : () -> ()
    } else {
    }
    "tpu.region"() ({
      %run_scoped3A = tpu.sem_alloc : memref<!tpu.dma_semaphore, #tpu.memory_space<semaphore_mem>>
      %dma_start3A_36 = arith.constant 0 : i32
      %dma_start3A_37 = arith.constant 0 : i32
      %dma_start3A_38 = tpu.memref_slice %arg3[%add3A, %dma_start3A_36, %dma_start3A_37] : memref<32x128x80xi32, #tpu.memory_space<hbm>> -> memref<1x128x80xi32, #tpu.memory_space<hbm>>
      %dma_start3A_39 = tpu.memref_squeeze %dma_start3A_38 : memref<1x128x80xi32, #tpu.memory_space<hbm>> -> memref<128x80xi32, #tpu.memory_space<hbm>>
      %dma_start3A_40 = arith.constant 0 : i32
      %dma_start3A_41 = arith.constant 0 : i32
      %dma_start3A_42 = tpu.memref_slice %arg3[%add3A, %dma_start3A_40, %dma_start3A_41] : memref<32x128x80xi32, #tpu.memory_space<hbm>> -> memref<1x128x80xi32, #tpu.memory_space<hbm>>
      %dma_start3A_43 = tpu.memref_squeeze %dma_start3A_42 : memref<1x128x80xi32, #tpu.memory_space<hbm>> -> memref<128x80xi32, #tpu.memory_space<hbm>>
      tpu.enqueue_dma source(%dma_start3A_43 : memref<128x80xi32, #tpu.memory_space<hbm>>) target(%arg6 : memref<128x80xi32, #tpu.memory_space<vmem>>) target_semaphore(%run_scoped3A : memref<!tpu.dma_semaphore, #tpu.memory_space<semaphore_mem>>)
      %dma_wait3A_44 = arith.constant 0 : i32
      %dma_wait3A_45 = arith.constant 0 : i32
      %dma_wait3A_46 = tpu.memref_slice %arg3[%add3A, %dma_wait3A_44, %dma_wait3A_45] : memref<32x128x80xi32, #tpu.memory_space<hbm>> -> memref<1x128x80xi32, #tpu.memory_space<hbm>>
      %dma_wait3A_47 = tpu.memref_squeeze %dma_wait3A_46 : memref<1x128x80xi32, #tpu.memory_space<hbm>> -> memref<128x80xi32, #tpu.memory_space<hbm>>
      %dma_wait3A_48 = arith.constant 0 : i32
      %dma_wait3A_49 = arith.constant 0 : i32
      %dma_wait3A_50 = tpu.memref_slice %arg3[%add3A, %dma_wait3A_48, %dma_wait3A_49] : memref<32x128x80xi32, #tpu.memory_space<hbm>> -> memref<1x128x80xi32, #tpu.memory_space<hbm>>
      %dma_wait3A_51 = tpu.memref_squeeze %dma_wait3A_50 : memref<1x128x80xi32, #tpu.memory_space<hbm>> -> memref<128x80xi32, #tpu.memory_space<hbm>>
      tpu.wait_dma2 semaphore(%run_scoped3A : memref<!tpu.dma_semaphore, #tpu.memory_space<semaphore_mem>>) src(%dma_wait3A_51 : memref<128x80xi32, #tpu.memory_space<hbm>>) dst(%arg6 : memref<128x80xi32, #tpu.memory_space<vmem>>)
      tpu.yield
    }) : () -> ()
    "tpu.region"() ({
      %run_scoped3A = tpu.sem_alloc : memref<!tpu.dma_semaphore, #tpu.memory_space<semaphore_mem>>
      %dma_start3A_36 = arith.constant 0 : i32
      %dma_start3A_37 = arith.constant 0 : i32
      %dma_start3A_38 = tpu.memref_slice %arg4[%add3A, %dma_start3A_36, %dma_start3A_37] : memref<32x128x80xi32, #tpu.memory_space<hbm>> -> memref<1x128x80xi32, #tpu.memory_space<hbm>>
      %dma_start3A_39 = tpu.memref_squeeze %dma_start3A_38 : memref<1x128x80xi32, #tpu.memory_space<hbm>> -> memref<128x80xi32, #tpu.memory_space<hbm>>
      %dma_start3A_40 = arith.constant 0 : i32
      %dma_start3A_41 = arith.constant 0 : i32
      %dma_start3A_42 = tpu.memref_slice %arg4[%add3A, %dma_start3A_40, %dma_start3A_41] : memref<32x128x80xi32, #tpu.memory_space<hbm>> -> memref<1x128x80xi32, #tpu.memory_space<hbm>>
      %dma_start3A_43 = tpu.memref_squeeze %dma_start3A_42 : memref<1x128x80xi32, #tpu.memory_space<hbm>> -> memref<128x80xi32, #tpu.memory_space<hbm>>
      tpu.enqueue_dma source(%dma_start3A_43 : memref<128x80xi32, #tpu.memory_space<hbm>>) target(%arg7 : memref<128x80xi32, #tpu.memory_space<vmem>>) target_semaphore(%run_scoped3A : memref<!tpu.dma_semaphore, #tpu.memory_space<semaphore_mem>>)
      %dma_wait3A_44 = arith.constant 0 : i32
      %dma_wait3A_45 = arith.constant 0 : i32
      %dma_wait3A_46 = tpu.memref_slice %arg4[%add3A, %dma_wait3A_44, %dma_wait3A_45] : memref<32x128x80xi32, #tpu.memory_space<hbm>> -> memref<1x128x80xi32, #tpu.memory_space<hbm>>
      %dma_wait3A_47 = tpu.memref_squeeze %dma_wait3A_46 : memref<1x128x80xi32, #tpu.memory_space<hbm>> -> memref<128x80xi32, #tpu.memory_space<hbm>>
      %dma_wait3A_48 = arith.constant 0 : i32
      %dma_wait3A_49 = arith.constant 0 : i32
      %dma_wait3A_50 = tpu.memref_slice %arg4[%add3A, %dma_wait3A_48, %dma_wait3A_49] : memref<32x128x80xi32, #tpu.memory_space<hbm>> -> memref<1x128x80xi32, #tpu.memory_space<hbm>>
      %dma_wait3A_51 = tpu.memref_squeeze %dma_wait3A_50 : memref<1x128x80xi32, #tpu.memory_space<hbm>> -> memref<128x80xi32, #tpu.memory_space<hbm>>
      tpu.wait_dma2 semaphore(%run_scoped3A : memref<!tpu.dma_semaphore, #tpu.memory_space<semaphore_mem>>) src(%dma_wait3A_51 : memref<128x80xi32, #tpu.memory_space<hbm>>) dst(%arg7 : memref<128x80xi32, #tpu.memory_space<vmem>>)
      tpu.yield
    }) : () -> ()
    %barrier3A = arith.constant 0 : index
    tpu.barrier barrier_id(%barrier3A)
    %dma_start3A = arith.constant 0 : i32
    %dma_start3A_5 = arith.constant 0 : i32
    %dma_start3A_6 = arith.constant 0 : i32
    %dma_start3A_7 = tpu.memref_slice %arg8[%dma_start3A_5, %dma_start3A_6] : memref<160x128xf32, #tpu.memory_space<vmem>> -> memref<80x128xf32, #tpu.memory_space<vmem>>
    %dma_start3A_8 = arith.constant 0 : i32
    %dma_start3A_9 = tpu.memref_slice %arg6[%dma_start3A, %dma_start3A_8] : memref<128x80xi32, #tpu.memory_space<vmem>> -> memref<1x80xi32, #tpu.memory_space<vmem>>
    %dma_start3A_10 = tpu.memref_squeeze %dma_start3A_9 : memref<1x80xi32, #tpu.memory_space<vmem>> -> memref<80xi32, #tpu.memory_space<vmem>>
    %dma_start3A_11 = arith.constant 0 : i32
    %dma_start3A_12 = arith.constant 0 : i32
    %dma_start3A_13 = tpu.memref_slice %arg2[%dma_start3A_11, %dma_start3A_12] : memref<10008x128xf32, #tpu.memory_space<hbm>> -> memref<10008x128xf32, #tpu.memory_space<hbm>>
    tpu.enqueue_indirect_dma source(%dma_start3A_13 : memref<10008x128xf32, #tpu.memory_space<hbm>>) target(%dma_start3A_7 : memref<80x128xf32, #tpu.memory_space<vmem>>) offsets(%dma_start3A_10 : memref<80xi32, #tpu.memory_space<vmem>>) semaphore(%arg10 : memref<!tpu.dma_semaphore, #tpu.memory_space<semaphore_mem>>)
    %scan3A = arith.constant 0 : i32
    %scan3A_14 = arith.constant 64 : i32
    %scan3A_15 = arith.addi %scan3A, %scan3A_14 : i32
    %scan3A_16 = arith.constant 1 : i32
    scf.for %scan3A_36 = %scan3A to %scan3A_15 step %scan3A_16  : i32 {
      %mul3A_37 = arith.constant 1 : i32
      %mul3A_38 = arith.muli %scan3A_36, %mul3A_37 : i32
      %add3A_39 = arith.constant 0 : i32
      %add3A_40 = arith.addi %add3A_39, %mul3A_38 : i32
      %mul3A_41 = arith.constant 2 : i32
      %mul3A_42 = arith.muli %mul3A_41, %add3A_40 : i32
      %add3A_43 = arith.constant 1 : i32
      %add3A_44 = arith.addi %mul3A_42, %add3A_43 : i32
      %dma_start3A_45 = arith.constant 80 : i32
      %dma_start3A_46 = arith.constant 0 : i32
      %dma_start3A_47 = tpu.memref_slice %arg8[%dma_start3A_45, %dma_start3A_46] : memref<160x128xf32, #tpu.memory_space<vmem>> -> memref<80x128xf32, #tpu.memory_space<vmem>>
      %dma_start3A_48 = arith.constant 0 : i32
      %dma_start3A_49 = tpu.memref_slice %arg6[%add3A_44, %dma_start3A_48] : memref<128x80xi32, #tpu.memory_space<vmem>> -> memref<1x80xi32, #tpu.memory_space<vmem>>
      %dma_start3A_50 = tpu.memref_squeeze %dma_start3A_49 : memref<1x80xi32, #tpu.memory_space<vmem>> -> memref<80xi32, #tpu.memory_space<vmem>>
      %dma_start3A_51 = arith.constant 0 : i32
      %dma_start3A_52 = arith.constant 0 : i32
      %dma_start3A_53 = tpu.memref_slice %arg2[%dma_start3A_51, %dma_start3A_52] : memref<10008x128xf32, #tpu.memory_space<hbm>> -> memref<10008x128xf32, #tpu.memory_space<hbm>>
      tpu.enqueue_indirect_dma source(%dma_start3A_53 : memref<10008x128xf32, #tpu.memory_space<hbm>>) target(%dma_start3A_47 : memref<80x128xf32, #tpu.memory_space<vmem>>) offsets(%dma_start3A_50 : memref<80xi32, #tpu.memory_space<vmem>>) semaphore(%arg11 : memref<!tpu.dma_semaphore, #tpu.memory_space<semaphore_mem>>)
      %dma_wait3A_54 = arith.constant 0 : i32
      %dma_wait3A_55 = arith.constant 0 : i32
      %dma_wait3A_56 = arith.constant 0 : i32
      %dma_wait3A_57 = tpu.memref_slice %arg8[%dma_wait3A_55, %dma_wait3A_56] : memref<160x128xf32, #tpu.memory_space<vmem>> -> memref<80x128xf32, #tpu.memory_space<vmem>>
      %dma_wait3A_58 = arith.constant 0 : i32
      %dma_wait3A_59 = tpu.memref_slice %arg6[%dma_wait3A_54, %dma_wait3A_58] : memref<128x80xi32, #tpu.memory_space<vmem>> -> memref<1x80xi32, #tpu.memory_space<vmem>>
      %dma_wait3A_60 = tpu.memref_squeeze %dma_wait3A_59 : memref<1x80xi32, #tpu.memory_space<vmem>> -> memref<80xi32, #tpu.memory_space<vmem>>
      %dma_wait3A_61 = arith.constant 0 : i32
      %dma_wait3A_62 = arith.constant 0 : i32
      %dma_wait3A_63 = tpu.memref_slice %arg2[%dma_wait3A_61, %dma_wait3A_62] : memref<10008x128xf32, #tpu.memory_space<hbm>> -> memref<10008x128xf32, #tpu.memory_space<hbm>>
      tpu.wait_indirect_dma semaphore(%arg10 : memref<!tpu.dma_semaphore, #tpu.memory_space<semaphore_mem>>) src(%dma_wait3A_63 : memref<10008x128xf32, #tpu.memory_space<hbm>>) dst(%dma_wait3A_57 : memref<80x128xf32, #tpu.memory_space<vmem>>)
      "tpu.region"() ({
        %run_scoped3A = tpu.sem_alloc : memref<!tpu.dma_semaphore, #tpu.memory_space<semaphore_mem>>
        %dma_start3A_88 = arith.constant 0 : i32
        %dma_start3A_89 = arith.constant 0 : i32
        %dma_start3A_90 = tpu.memref_slice %arg8[%dma_start3A_88, %dma_start3A_89] : memref<160x128xf32, #tpu.memory_space<vmem>> -> memref<80x128xf32, #tpu.memory_space<vmem>>
        %dma_start3A_91 = arith.constant 0 : i32
        %dma_start3A_92 = tpu.memref_slice %arg7[%mul3A_42, %dma_start3A_91] : memref<128x80xi32, #tpu.memory_space<vmem>> -> memref<1x80xi32, #tpu.memory_space<vmem>>
        %dma_start3A_93 = tpu.memref_squeeze %dma_start3A_92 : memref<1x80xi32, #tpu.memory_space<vmem>> -> memref<80xi32, #tpu.memory_space<vmem>>
        %dma_start3A_94 = arith.constant 0 : i32
        %dma_start3A_95 = arith.constant 0 : i32
        %dma_start3A_96 = tpu.memref_slice %arg9[%dma_start3A_94, %dma_start3A_95] : memref<10000x128xf32, #tpu.memory_space<vmem_shared>> -> memref<10000x128xf32, #tpu.memory_space<vmem_shared>>
        tpu.enqueue_indirect_dma source(%dma_start3A_90 : memref<80x128xf32, #tpu.memory_space<vmem>>) target(%dma_start3A_96 : memref<10000x128xf32, #tpu.memory_space<vmem_shared>>) offsets(%dma_start3A_93 : memref<80xi32, #tpu.memory_space<vmem>>) semaphore(%run_scoped3A : memref<!tpu.dma_semaphore, #tpu.memory_space<semaphore_mem>>) {add = true}
        %dma_wait3A_97 = arith.constant 0 : i32
        %dma_wait3A_98 = arith.constant 0 : i32
        %dma_wait3A_99 = tpu.memref_slice %arg8[%dma_wait3A_97, %dma_wait3A_98] : memref<160x128xf32, #tpu.memory_space<vmem>> -> memref<80x128xf32, #tpu.memory_space<vmem>>
        %dma_wait3A_100 = arith.constant 0 : i32
        %dma_wait3A_101 = tpu.memref_slice %arg7[%mul3A_42, %dma_wait3A_100] : memref<128x80xi32, #tpu.memory_space<vmem>> -> memref<1x80xi32, #tpu.memory_space<vmem>>
        %dma_wait3A_102 = tpu.memref_squeeze %dma_wait3A_101 : memref<1x80xi32, #tpu.memory_space<vmem>> -> memref<80xi32, #tpu.memory_space<vmem>>
        %dma_wait3A_103 = arith.constant 0 : i32
        %dma_wait3A_104 = arith.constant 0 : i32
        %dma_wait3A_105 = tpu.memref_slice %arg9[%dma_wait3A_103, %dma_wait3A_104] : memref<10000x128xf32, #tpu.memory_space<vmem_shared>> -> memref<10000x128xf32, #tpu.memory_space<vmem_shared>>
        tpu.wait_indirect_dma semaphore(%run_scoped3A : memref<!tpu.dma_semaphore, #tpu.memory_space<semaphore_mem>>) src(%dma_wait3A_99 : memref<80x128xf32, #tpu.memory_space<vmem>>) dst(%dma_wait3A_105 : memref<10000x128xf32, #tpu.memory_space<vmem_shared>>)
        tpu.yield
      }) : () -> ()
      %add3A_64 = arith.constant 2 : i32
      %add3A_65 = arith.addi %mul3A_42, %add3A_64 : i32
      %rem3A = arith.constant 128 : i32
      %rem3A_66 = arith.remsi %add3A_65, %rem3A : i32
      %dma_start3A_67 = arith.constant 0 : i32
      %dma_start3A_68 = arith.constant 0 : i32
      %dma_start3A_69 = tpu.memref_slice %arg8[%dma_start3A_67, %dma_start3A_68] : memref<160x128xf32, #tpu.memory_space<vmem>> -> memref<80x128xf32, #tpu.memory_space<vmem>>
      %dma_start3A_70 = arith.constant 0 : i32
      %dma_start3A_71 = tpu.memref_slice %arg6[%rem3A_66, %dma_start3A_70] : memref<128x80xi32, #tpu.memory_space<vmem>> -> memref<1x80xi32, #tpu.memory_space<vmem>>
      %dma_start3A_72 = tpu.memref_squeeze %dma_start3A_71 : memref<1x80xi32, #tpu.memory_space<vmem>> -> memref<80xi32, #tpu.memory_space<vmem>>
      %dma_start3A_73 = arith.constant 0 : i32
      %dma_start3A_74 = arith.constant 0 : i32
      %dma_start3A_75 = tpu.memref_slice %arg2[%dma_start3A_73, %dma_start3A_74] : memref<10008x128xf32, #tpu.memory_space<hbm>> -> memref<10008x128xf32, #tpu.memory_space<hbm>>
      tpu.enqueue_indirect_dma source(%dma_start3A_75 : memref<10008x128xf32, #tpu.memory_space<hbm>>) target(%dma_start3A_69 : memref<80x128xf32, #tpu.memory_space<vmem>>) offsets(%dma_start3A_72 : memref<80xi32, #tpu.memory_space<vmem>>) semaphore(%arg10 : memref<!tpu.dma_semaphore, #tpu.memory_space<semaphore_mem>>)
      %dma_wait3A_76 = arith.constant 0 : i32
      %dma_wait3A_77 = arith.constant 80 : i32
      %dma_wait3A_78 = arith.constant 0 : i32
      %dma_wait3A_79 = tpu.memref_slice %arg8[%dma_wait3A_77, %dma_wait3A_78] : memref<160x128xf32, #tpu.memory_space<vmem>> -> memref<80x128xf32, #tpu.memory_space<vmem>>
      %dma_wait3A_80 = arith.constant 0 : i32
      %dma_wait3A_81 = tpu.memref_slice %arg6[%dma_wait3A_76, %dma_wait3A_80] : memref<128x80xi32, #tpu.memory_space<vmem>> -> memref<1x80xi32, #tpu.memory_space<vmem>>
      %dma_wait3A_82 = tpu.memref_squeeze %dma_wait3A_81 : memref<1x80xi32, #tpu.memory_space<vmem>> -> memref<80xi32, #tpu.memory_space<vmem>>
      %dma_wait3A_83 = arith.constant 0 : i32
      %dma_wait3A_84 = arith.constant 0 : i32
      %dma_wait3A_85 = tpu.memref_slice %arg2[%dma_wait3A_83, %dma_wait3A_84] : memref<10008x128xf32, #tpu.memory_space<hbm>> -> memref<10008x128xf32, #tpu.memory_space<hbm>>
      tpu.wait_indirect_dma semaphore(%arg11 : memref<!tpu.dma_semaphore, #tpu.memory_space<semaphore_mem>>) src(%dma_wait3A_85 : memref<10008x128xf32, #tpu.memory_space<hbm>>) dst(%dma_wait3A_79 : memref<80x128xf32, #tpu.memory_space<vmem>>)
      %add3A_86 = arith.constant 1 : i32
      %add3A_87 = arith.addi %mul3A_42, %add3A_86 : i32
      "tpu.region"() ({
        %run_scoped3A = tpu.sem_alloc : memref<!tpu.dma_semaphore, #tpu.memory_space<semaphore_mem>>
        %dma_start3A_88 = arith.constant 80 : i32
        %dma_start3A_89 = arith.constant 0 : i32
        %dma_start3A_90 = tpu.memref_slice %arg8[%dma_start3A_88, %dma_start3A_89] : memref<160x128xf32, #tpu.memory_space<vmem>> -> memref<80x128xf32, #tpu.memory_space<vmem>>
        %dma_start3A_91 = arith.constant 0 : i32
        %dma_start3A_92 = tpu.memref_slice %arg7[%add3A_87, %dma_start3A_91] : memref<128x80xi32, #tpu.memory_space<vmem>> -> memref<1x80xi32, #tpu.memory_space<vmem>>
        %dma_start3A_93 = tpu.memref_squeeze %dma_start3A_92 : memref<1x80xi32, #tpu.memory_space<vmem>> -> memref<80xi32, #tpu.memory_space<vmem>>
        %dma_start3A_94 = arith.constant 0 : i32
        %dma_start3A_95 = arith.constant 0 : i32
        %dma_start3A_96 = tpu.memref_slice %arg9[%dma_start3A_94, %dma_start3A_95] : memref<10000x128xf32, #tpu.memory_space<vmem_shared>> -> memref<10000x128xf32, #tpu.memory_space<vmem_shared>>
        tpu.enqueue_indirect_dma source(%dma_start3A_90 : memref<80x128xf32, #tpu.memory_space<vmem>>) target(%dma_start3A_96 : memref<10000x128xf32, #tpu.memory_space<vmem_shared>>) offsets(%dma_start3A_93 : memref<80xi32, #tpu.memory_space<vmem>>) semaphore(%run_scoped3A : memref<!tpu.dma_semaphore, #tpu.memory_space<semaphore_mem>>) {add = true}
        %dma_wait3A_97 = arith.constant 80 : i32
        %dma_wait3A_98 = arith.constant 0 : i32
        %dma_wait3A_99 = tpu.memref_slice %arg8[%dma_wait3A_97, %dma_wait3A_98] : memref<160x128xf32, #tpu.memory_space<vmem>> -> memref<80x128xf32, #tpu.memory_space<vmem>>
        %dma_wait3A_100 = arith.constant 0 : i32
        %dma_wait3A_101 = tpu.memref_slice %arg7[%add3A_87, %dma_wait3A_100] : memref<128x80xi32, #tpu.memory_space<vmem>> -> memref<1x80xi32, #tpu.memory_space<vmem>>
        %dma_wait3A_102 = tpu.memref_squeeze %dma_wait3A_101 : memref<1x80xi32, #tpu.memory_space<vmem>> -> memref<80xi32, #tpu.memory_space<vmem>>
        %dma_wait3A_103 = arith.constant 0 : i32
        %dma_wait3A_104 = arith.constant 0 : i32
        %dma_wait3A_105 = tpu.memref_slice %arg9[%dma_wait3A_103, %dma_wait3A_104] : memref<10000x128xf32, #tpu.memory_space<vmem_shared>> -> memref<10000x128xf32, #tpu.memory_space<vmem_shared>>
        tpu.wait_indirect_dma semaphore(%run_scoped3A : memref<!tpu.dma_semaphore, #tpu.memory_space<semaphore_mem>>) src(%dma_wait3A_99 : memref<80x128xf32, #tpu.memory_space<vmem>>) dst(%dma_wait3A_105 : memref<10000x128xf32, #tpu.memory_space<vmem_shared>>)
        tpu.yield
      }) : () -> ()
    }
    %scan3A_17 = arith.constant 64 : i32
    %dma_wait3A = arith.constant 0 : i32
    %dma_wait3A_18 = arith.constant 0 : i32
    %dma_wait3A_19 = arith.constant 0 : i32
    %dma_wait3A_20 = tpu.memref_slice %arg8[%dma_wait3A_18, %dma_wait3A_19] : memref<160x128xf32, #tpu.memory_space<vmem>> -> memref<80x128xf32, #tpu.memory_space<vmem>>
    %dma_wait3A_21 = arith.constant 0 : i32
    %dma_wait3A_22 = tpu.memref_slice %arg6[%dma_wait3A, %dma_wait3A_21] : memref<128x80xi32, #tpu.memory_space<vmem>> -> memref<1x80xi32, #tpu.memory_space<vmem>>
    %dma_wait3A_23 = tpu.memref_squeeze %dma_wait3A_22 : memref<1x80xi32, #tpu.memory_space<vmem>> -> memref<80xi32, #tpu.memory_space<vmem>>
    %dma_wait3A_24 = arith.constant 0 : i32
    %dma_wait3A_25 = arith.constant 0 : i32
    %dma_wait3A_26 = tpu.memref_slice %arg2[%dma_wait3A_24, %dma_wait3A_25] : memref<10008x128xf32, #tpu.memory_space<hbm>> -> memref<10008x128xf32, #tpu.memory_space<hbm>>
    tpu.wait_indirect_dma semaphore(%arg10 : memref<!tpu.dma_semaphore, #tpu.memory_space<semaphore_mem>>) src(%dma_wait3A_26 : memref<10008x128xf32, #tpu.memory_space<hbm>>) dst(%dma_wait3A_20 : memref<80x128xf32, #tpu.memory_space<vmem>>)
    %barrier3A_27 = arith.constant 0 : index
    tpu.barrier barrier_id(%barrier3A_27)
    %mul3A_28 = arith.constant 10000 : i32
    %mul3A_29 = arith.muli %arg0, %mul3A_28 : i32
    %add3A_30 = arith.addi %mul3A_29, %mul3A_2 : i32
    "tpu.region"() ({
      %run_scoped3A = tpu.sem_alloc : memref<!tpu.dma_semaphore, #tpu.memory_space<semaphore_mem>>
      %dma_start3A_36 = arith.constant 0 : i32
      %dma_start3A_37 = tpu.memref_slice %arg5[%add3A_30, %dma_start3A_36] : memref<20000x128xf32, #tpu.memory_space<hbm>> -> memref<624x128xf32, #tpu.memory_space<hbm>>
      %dma_start3A_38 = arith.constant 0 : i32
      %dma_start3A_39 = tpu.memref_slice %arg9[%mul3A_2, %dma_start3A_38] : memref<10000x128xf32, #tpu.memory_space<vmem_shared>> -> memref<624x128xf32, #tpu.memory_space<vmem_shared>>
      tpu.enqueue_dma source(%dma_start3A_39 : memref<624x128xf32, #tpu.memory_space<vmem_shared>>) target(%dma_start3A_37 : memref<624x128xf32, #tpu.memory_space<hbm>>) target_semaphore(%run_scoped3A : memref<!tpu.dma_semaphore, #tpu.memory_space<semaphore_mem>>)
      %dma_wait3A_40 = arith.constant 0 : i32
      %dma_wait3A_41 = tpu.memref_slice %arg5[%add3A_30, %dma_wait3A_40] : memref<20000x128xf32, #tpu.memory_space<hbm>> -> memref<624x128xf32, #tpu.memory_space<hbm>>
      %dma_wait3A_42 = arith.constant 0 : i32
      %dma_wait3A_43 = tpu.memref_slice %arg9[%mul3A_2, %dma_wait3A_42] : memref<10000x128xf32, #tpu.memory_space<vmem_shared>> -> memref<624x128xf32, #tpu.memory_space<vmem_shared>>
      tpu.wait_dma2 semaphore(%run_scoped3A : memref<!tpu.dma_semaphore, #tpu.memory_space<semaphore_mem>>) src(%dma_wait3A_43 : memref<624x128xf32, #tpu.memory_space<vmem_shared>>) dst(%dma_wait3A_41 : memref<624x128xf32, #tpu.memory_space<hbm>>)
      tpu.yield
    }) : () -> ()
    %eq3A_31 = arith.constant 15 : i32
    %eq3A_32 = arith.cmpi eq, %arg1, %eq3A_31 : i32
    %convert_element_type3A_33 = arith.extui %eq3A_32 : i1 to i32
    %cond3A_34 = arith.constant 0 : i32
    %cond3A_35 = arith.cmpi ne, %convert_element_type3A_33, %cond3A_34 : i32
    scf.if %cond3A_35 {
      %mul3A_36 = arith.constant 10000 : i32
      %mul3A_37 = arith.muli %arg0, %mul3A_36 : i32
      %add3A_38 = arith.constant 9984 : i32
      %add3A_39 = arith.addi %mul3A_37, %add3A_38 : i32
      "tpu.region"() ({
        %run_scoped3A = tpu.sem_alloc : memref<!tpu.dma_semaphore, #tpu.memory_space<semaphore_mem>>
        %dma_start3A_40 = arith.constant 0 : i32
        %dma_start3A_41 = tpu.memref_slice %arg5[%add3A_39, %dma_start3A_40] : memref<20000x128xf32, #tpu.memory_space<hbm>> -> memref<16x128xf32, #tpu.memory_space<hbm>>
        %dma_start3A_42 = arith.constant 9984 : i32
        %dma_start3A_43 = arith.constant 0 : i32
        %dma_start3A_44 = tpu.memref_slice %arg9[%dma_start3A_42, %dma_start3A_43] : memref<10000x128xf32, #tpu.memory_space<vmem_shared>> -> memref<16x128xf32, #tpu.memory_space<vmem_shared>>
        tpu.enqueue_dma source(%dma_start3A_44 : memref<16x128xf32, #tpu.memory_space<vmem_shared>>) target(%dma_start3A_41 : memref<16x128xf32, #tpu.memory_space<hbm>>) target_semaphore(%run_scoped3A : memref<!tpu.dma_semaphore, #tpu.memory_space<semaphore_mem>>)
        %dma_wait3A_45 = arith.constant 0 : i32
        %dma_wait3A_46 = tpu.memref_slice %arg5[%add3A_39, %dma_wait3A_45] : memref<20000x128xf32, #tpu.memory_space<hbm>> -> memref<16x128xf32, #tpu.memory_space<hbm>>
        %dma_wait3A_47 = arith.constant 9984 : i32
        %dma_wait3A_48 = arith.constant 0 : i32
        %dma_wait3A_49 = tpu.memref_slice %arg9[%dma_wait3A_47, %dma_wait3A_48] : memref<10000x128xf32, #tpu.memory_space<vmem_shared>> -> memref<16x128xf32, #tpu.memory_space<vmem_shared>>
        tpu.wait_dma2 semaphore(%run_scoped3A : memref<!tpu.dma_semaphore, #tpu.memory_space<semaphore_mem>>) src(%dma_wait3A_49 : memref<16x128xf32, #tpu.memory_space<vmem_shared>>) dst(%dma_wait3A_46 : memref<16x128xf32, #tpu.memory_space<hbm>>)
        tpu.yield
      }) : () -> ()
    } else {
    }
    return
  }
}

#map = affine_map<(d0, d1) -> (0, 0)>
#map1 = affine_map<(d0, d1) -> (0, 0, 0)>
module attributes {stable_mosaic.version = 14 : i64} {
  func.func @agg(%arg0: i32, %arg1: i32, %arg2: memref<10008x40xf32, #tpu.memory_space<hbm>>, %arg3: memref<32x80x128xi32, #tpu.memory_space<hbm>>, %arg4: memref<32x80x128xi32, #tpu.memory_space<hbm>>, %arg5: memref<20000x40xf32, #tpu.memory_space<hbm>>, %arg6: memref<80x128xi32, #tpu.memory_space<vmem>>, %arg7: memref<80x128xi32, #tpu.memory_space<vmem>>, %arg8: memref<256x40xf32, #tpu.memory_space<vmem>>, %arg9: memref<10000x40xf32, #tpu.memory_space<vmem_shared>>, %arg10: memref<!tpu.dma_semaphore, #tpu.memory_space<semaphore_mem>>, %arg11: memref<!tpu.dma_semaphore, #tpu.memory_space<semaphore_mem>>) attributes {dimension_semantics = [#tpu.dimension_semantics<core_parallel>, #tpu.dimension_semantics<subcore_parallel>], iteration_bounds = array<i64: 2, 16>, scalar_prefetch = 0 : i64, scratch_operands = 6 : i64, tpu.core_type = #tpu.core_type<sc_vector_subcore>, window_params = [{transform_indices = #map}, {transform_indices = #map1}, {transform_indices = #map1}, {transform_indices = #map}]} {
    %mul3A = arith.constant 16 : i32
    %mul3A_0 = arith.muli %arg0, %mul3A : i32
    %add3A = arith.addi %mul3A_0, %arg1 : i32
    %mul3A_1 = arith.constant 624 : i32
    %mul3A_2 = arith.muli %arg1, %mul3A_1 : i32
    "tpu.region"() ({
      %run_scoped3A = tpu.sem_alloc : memref<!tpu.dma_semaphore, #tpu.memory_space<semaphore_mem>>
      %dma_start3A_36 = arith.constant 0 : i32
      %dma_start3A_37 = tpu.memref_slice %arg9[%mul3A_2, %dma_start3A_36] : memref<10000x40xf32, #tpu.memory_space<vmem_shared>> -> memref<624x40xf32, #tpu.memory_space<vmem_shared>>
      %dma_start3A_38 = arith.constant 0 : i32
      %dma_start3A_39 = tpu.memref_slice %arg2[%mul3A_2, %dma_start3A_38] : memref<10008x40xf32, #tpu.memory_space<hbm>> -> memref<624x40xf32, #tpu.memory_space<hbm>>
      tpu.enqueue_dma source(%dma_start3A_39 : memref<624x40xf32, #tpu.memory_space<hbm>>) target(%dma_start3A_37 : memref<624x40xf32, #tpu.memory_space<vmem_shared>>) target_semaphore(%run_scoped3A : memref<!tpu.dma_semaphore, #tpu.memory_space<semaphore_mem>>)
      %dma_wait3A_40 = arith.constant 0 : i32
      %dma_wait3A_41 = tpu.memref_slice %arg9[%mul3A_2, %dma_wait3A_40] : memref<10000x40xf32, #tpu.memory_space<vmem_shared>> -> memref<624x40xf32, #tpu.memory_space<vmem_shared>>
      %dma_wait3A_42 = arith.constant 0 : i32
      %dma_wait3A_43 = tpu.memref_slice %arg2[%mul3A_2, %dma_wait3A_42] : memref<10008x40xf32, #tpu.memory_space<hbm>> -> memref<624x40xf32, #tpu.memory_space<hbm>>
      tpu.wait_dma2 semaphore(%run_scoped3A : memref<!tpu.dma_semaphore, #tpu.memory_space<semaphore_mem>>) src(%dma_wait3A_43 : memref<624x40xf32, #tpu.memory_space<hbm>>) dst(%dma_wait3A_41 : memref<624x40xf32, #tpu.memory_space<vmem_shared>>)
      tpu.yield
    }) : () -> ()
    %eq3A = arith.constant 15 : i32
    %eq3A_3 = arith.cmpi eq, %arg1, %eq3A : i32
    %convert_element_type3A = arith.extui %eq3A_3 : i1 to i32
    %cond3A = arith.constant 0 : i32
    %cond3A_4 = arith.cmpi ne, %convert_element_type3A, %cond3A : i32
    scf.if %cond3A_4 {
      "tpu.region"() ({
        %run_scoped3A = tpu.sem_alloc : memref<!tpu.dma_semaphore, #tpu.memory_space<semaphore_mem>>
        %dma_start3A_36 = arith.constant 9984 : i32
        %dma_start3A_37 = arith.constant 0 : i32
        %dma_start3A_38 = tpu.memref_slice %arg9[%dma_start3A_36, %dma_start3A_37] : memref<10000x40xf32, #tpu.memory_space<vmem_shared>> -> memref<16x40xf32, #tpu.memory_space<vmem_shared>>
        %dma_start3A_39 = arith.constant 9984 : i32
        %dma_start3A_40 = arith.constant 0 : i32
        %dma_start3A_41 = tpu.memref_slice %arg2[%dma_start3A_39, %dma_start3A_40] : memref<10008x40xf32, #tpu.memory_space<hbm>> -> memref<16x40xf32, #tpu.memory_space<hbm>>
        tpu.enqueue_dma source(%dma_start3A_41 : memref<16x40xf32, #tpu.memory_space<hbm>>) target(%dma_start3A_38 : memref<16x40xf32, #tpu.memory_space<vmem_shared>>) target_semaphore(%run_scoped3A : memref<!tpu.dma_semaphore, #tpu.memory_space<semaphore_mem>>)
        %dma_wait3A_42 = arith.constant 9984 : i32
        %dma_wait3A_43 = arith.constant 0 : i32
        %dma_wait3A_44 = tpu.memref_slice %arg9[%dma_wait3A_42, %dma_wait3A_43] : memref<10000x40xf32, #tpu.memory_space<vmem_shared>> -> memref<16x40xf32, #tpu.memory_space<vmem_shared>>
        %dma_wait3A_45 = arith.constant 9984 : i32
        %dma_wait3A_46 = arith.constant 0 : i32
        %dma_wait3A_47 = tpu.memref_slice %arg2[%dma_wait3A_45, %dma_wait3A_46] : memref<10008x40xf32, #tpu.memory_space<hbm>> -> memref<16x40xf32, #tpu.memory_space<hbm>>
        tpu.wait_dma2 semaphore(%run_scoped3A : memref<!tpu.dma_semaphore, #tpu.memory_space<semaphore_mem>>) src(%dma_wait3A_47 : memref<16x40xf32, #tpu.memory_space<hbm>>) dst(%dma_wait3A_44 : memref<16x40xf32, #tpu.memory_space<vmem_shared>>)
        tpu.yield
      }) : () -> ()
    } else {
    }
    "tpu.region"() ({
      %run_scoped3A = tpu.sem_alloc : memref<!tpu.dma_semaphore, #tpu.memory_space<semaphore_mem>>
      %dma_start3A_36 = arith.constant 0 : i32
      %dma_start3A_37 = arith.constant 0 : i32
      %dma_start3A_38 = tpu.memref_slice %arg3[%add3A, %dma_start3A_36, %dma_start3A_37] : memref<32x80x128xi32, #tpu.memory_space<hbm>> -> memref<1x80x128xi32, #tpu.memory_space<hbm>>
      %dma_start3A_39 = tpu.memref_squeeze %dma_start3A_38 : memref<1x80x128xi32, #tpu.memory_space<hbm>> -> memref<80x128xi32, #tpu.memory_space<hbm>>
      %dma_start3A_40 = arith.constant 0 : i32
      %dma_start3A_41 = arith.constant 0 : i32
      %dma_start3A_42 = tpu.memref_slice %arg3[%add3A, %dma_start3A_40, %dma_start3A_41] : memref<32x80x128xi32, #tpu.memory_space<hbm>> -> memref<1x80x128xi32, #tpu.memory_space<hbm>>
      %dma_start3A_43 = tpu.memref_squeeze %dma_start3A_42 : memref<1x80x128xi32, #tpu.memory_space<hbm>> -> memref<80x128xi32, #tpu.memory_space<hbm>>
      tpu.enqueue_dma source(%dma_start3A_43 : memref<80x128xi32, #tpu.memory_space<hbm>>) target(%arg6 : memref<80x128xi32, #tpu.memory_space<vmem>>) target_semaphore(%run_scoped3A : memref<!tpu.dma_semaphore, #tpu.memory_space<semaphore_mem>>)
      %dma_wait3A_44 = arith.constant 0 : i32
      %dma_wait3A_45 = arith.constant 0 : i32
      %dma_wait3A_46 = tpu.memref_slice %arg3[%add3A, %dma_wait3A_44, %dma_wait3A_45] : memref<32x80x128xi32, #tpu.memory_space<hbm>> -> memref<1x80x128xi32, #tpu.memory_space<hbm>>
      %dma_wait3A_47 = tpu.memref_squeeze %dma_wait3A_46 : memref<1x80x128xi32, #tpu.memory_space<hbm>> -> memref<80x128xi32, #tpu.memory_space<hbm>>
      %dma_wait3A_48 = arith.constant 0 : i32
      %dma_wait3A_49 = arith.constant 0 : i32
      %dma_wait3A_50 = tpu.memref_slice %arg3[%add3A, %dma_wait3A_48, %dma_wait3A_49] : memref<32x80x128xi32, #tpu.memory_space<hbm>> -> memref<1x80x128xi32, #tpu.memory_space<hbm>>
      %dma_wait3A_51 = tpu.memref_squeeze %dma_wait3A_50 : memref<1x80x128xi32, #tpu.memory_space<hbm>> -> memref<80x128xi32, #tpu.memory_space<hbm>>
      tpu.wait_dma2 semaphore(%run_scoped3A : memref<!tpu.dma_semaphore, #tpu.memory_space<semaphore_mem>>) src(%dma_wait3A_51 : memref<80x128xi32, #tpu.memory_space<hbm>>) dst(%arg6 : memref<80x128xi32, #tpu.memory_space<vmem>>)
      tpu.yield
    }) : () -> ()
    "tpu.region"() ({
      %run_scoped3A = tpu.sem_alloc : memref<!tpu.dma_semaphore, #tpu.memory_space<semaphore_mem>>
      %dma_start3A_36 = arith.constant 0 : i32
      %dma_start3A_37 = arith.constant 0 : i32
      %dma_start3A_38 = tpu.memref_slice %arg4[%add3A, %dma_start3A_36, %dma_start3A_37] : memref<32x80x128xi32, #tpu.memory_space<hbm>> -> memref<1x80x128xi32, #tpu.memory_space<hbm>>
      %dma_start3A_39 = tpu.memref_squeeze %dma_start3A_38 : memref<1x80x128xi32, #tpu.memory_space<hbm>> -> memref<80x128xi32, #tpu.memory_space<hbm>>
      %dma_start3A_40 = arith.constant 0 : i32
      %dma_start3A_41 = arith.constant 0 : i32
      %dma_start3A_42 = tpu.memref_slice %arg4[%add3A, %dma_start3A_40, %dma_start3A_41] : memref<32x80x128xi32, #tpu.memory_space<hbm>> -> memref<1x80x128xi32, #tpu.memory_space<hbm>>
      %dma_start3A_43 = tpu.memref_squeeze %dma_start3A_42 : memref<1x80x128xi32, #tpu.memory_space<hbm>> -> memref<80x128xi32, #tpu.memory_space<hbm>>
      tpu.enqueue_dma source(%dma_start3A_43 : memref<80x128xi32, #tpu.memory_space<hbm>>) target(%arg7 : memref<80x128xi32, #tpu.memory_space<vmem>>) target_semaphore(%run_scoped3A : memref<!tpu.dma_semaphore, #tpu.memory_space<semaphore_mem>>)
      %dma_wait3A_44 = arith.constant 0 : i32
      %dma_wait3A_45 = arith.constant 0 : i32
      %dma_wait3A_46 = tpu.memref_slice %arg4[%add3A, %dma_wait3A_44, %dma_wait3A_45] : memref<32x80x128xi32, #tpu.memory_space<hbm>> -> memref<1x80x128xi32, #tpu.memory_space<hbm>>
      %dma_wait3A_47 = tpu.memref_squeeze %dma_wait3A_46 : memref<1x80x128xi32, #tpu.memory_space<hbm>> -> memref<80x128xi32, #tpu.memory_space<hbm>>
      %dma_wait3A_48 = arith.constant 0 : i32
      %dma_wait3A_49 = arith.constant 0 : i32
      %dma_wait3A_50 = tpu.memref_slice %arg4[%add3A, %dma_wait3A_48, %dma_wait3A_49] : memref<32x80x128xi32, #tpu.memory_space<hbm>> -> memref<1x80x128xi32, #tpu.memory_space<hbm>>
      %dma_wait3A_51 = tpu.memref_squeeze %dma_wait3A_50 : memref<1x80x128xi32, #tpu.memory_space<hbm>> -> memref<80x128xi32, #tpu.memory_space<hbm>>
      tpu.wait_dma2 semaphore(%run_scoped3A : memref<!tpu.dma_semaphore, #tpu.memory_space<semaphore_mem>>) src(%dma_wait3A_51 : memref<80x128xi32, #tpu.memory_space<hbm>>) dst(%arg7 : memref<80x128xi32, #tpu.memory_space<vmem>>)
      tpu.yield
    }) : () -> ()
    %barrier3A = arith.constant 0 : index
    tpu.barrier barrier_id(%barrier3A)
    %dma_start3A = arith.constant 0 : i32
    %dma_start3A_5 = arith.constant 0 : i32
    %dma_start3A_6 = arith.constant 0 : i32
    %dma_start3A_7 = tpu.memref_slice %arg8[%dma_start3A_5, %dma_start3A_6] : memref<256x40xf32, #tpu.memory_space<vmem>> -> memref<128x40xf32, #tpu.memory_space<vmem>>
    %dma_start3A_8 = arith.constant 0 : i32
    %dma_start3A_9 = tpu.memref_slice %arg6[%dma_start3A, %dma_start3A_8] : memref<80x128xi32, #tpu.memory_space<vmem>> -> memref<1x128xi32, #tpu.memory_space<vmem>>
    %dma_start3A_10 = tpu.memref_squeeze %dma_start3A_9 : memref<1x128xi32, #tpu.memory_space<vmem>> -> memref<128xi32, #tpu.memory_space<vmem>>
    %dma_start3A_11 = arith.constant 0 : i32
    %dma_start3A_12 = arith.constant 0 : i32
    %dma_start3A_13 = tpu.memref_slice %arg2[%dma_start3A_11, %dma_start3A_12] : memref<10008x40xf32, #tpu.memory_space<hbm>> -> memref<10008x40xf32, #tpu.memory_space<hbm>>
    tpu.enqueue_indirect_dma source(%dma_start3A_13 : memref<10008x40xf32, #tpu.memory_space<hbm>>) target(%dma_start3A_7 : memref<128x40xf32, #tpu.memory_space<vmem>>) offsets(%dma_start3A_10 : memref<128xi32, #tpu.memory_space<vmem>>) semaphore(%arg10 : memref<!tpu.dma_semaphore, #tpu.memory_space<semaphore_mem>>)
    %scan3A = arith.constant 0 : i32
    %scan3A_14 = arith.constant 40 : i32
    %scan3A_15 = arith.addi %scan3A, %scan3A_14 : i32
    %scan3A_16 = arith.constant 1 : i32
    scf.for %scan3A_36 = %scan3A to %scan3A_15 step %scan3A_16  : i32 {
      %mul3A_37 = arith.constant 1 : i32
      %mul3A_38 = arith.muli %scan3A_36, %mul3A_37 : i32
      %add3A_39 = arith.constant 0 : i32
      %add3A_40 = arith.addi %add3A_39, %mul3A_38 : i32
      %mul3A_41 = arith.constant 2 : i32
      %mul3A_42 = arith.muli %mul3A_41, %add3A_40 : i32
      %add3A_43 = arith.constant 1 : i32
      %add3A_44 = arith.addi %mul3A_42, %add3A_43 : i32
      %dma_start3A_45 = arith.constant 128 : i32
      %dma_start3A_46 = arith.constant 0 : i32
      %dma_start3A_47 = tpu.memref_slice %arg8[%dma_start3A_45, %dma_start3A_46] : memref<256x40xf32, #tpu.memory_space<vmem>> -> memref<128x40xf32, #tpu.memory_space<vmem>>
      %dma_start3A_48 = arith.constant 0 : i32
      %dma_start3A_49 = tpu.memref_slice %arg6[%add3A_44, %dma_start3A_48] : memref<80x128xi32, #tpu.memory_space<vmem>> -> memref<1x128xi32, #tpu.memory_space<vmem>>
      %dma_start3A_50 = tpu.memref_squeeze %dma_start3A_49 : memref<1x128xi32, #tpu.memory_space<vmem>> -> memref<128xi32, #tpu.memory_space<vmem>>
      %dma_start3A_51 = arith.constant 0 : i32
      %dma_start3A_52 = arith.constant 0 : i32
      %dma_start3A_53 = tpu.memref_slice %arg2[%dma_start3A_51, %dma_start3A_52] : memref<10008x40xf32, #tpu.memory_space<hbm>> -> memref<10008x40xf32, #tpu.memory_space<hbm>>
      tpu.enqueue_indirect_dma source(%dma_start3A_53 : memref<10008x40xf32, #tpu.memory_space<hbm>>) target(%dma_start3A_47 : memref<128x40xf32, #tpu.memory_space<vmem>>) offsets(%dma_start3A_50 : memref<128xi32, #tpu.memory_space<vmem>>) semaphore(%arg11 : memref<!tpu.dma_semaphore, #tpu.memory_space<semaphore_mem>>)
      %dma_wait3A_54 = arith.constant 0 : i32
      %dma_wait3A_55 = arith.constant 0 : i32
      %dma_wait3A_56 = arith.constant 0 : i32
      %dma_wait3A_57 = tpu.memref_slice %arg8[%dma_wait3A_55, %dma_wait3A_56] : memref<256x40xf32, #tpu.memory_space<vmem>> -> memref<128x40xf32, #tpu.memory_space<vmem>>
      %dma_wait3A_58 = arith.constant 0 : i32
      %dma_wait3A_59 = tpu.memref_slice %arg6[%dma_wait3A_54, %dma_wait3A_58] : memref<80x128xi32, #tpu.memory_space<vmem>> -> memref<1x128xi32, #tpu.memory_space<vmem>>
      %dma_wait3A_60 = tpu.memref_squeeze %dma_wait3A_59 : memref<1x128xi32, #tpu.memory_space<vmem>> -> memref<128xi32, #tpu.memory_space<vmem>>
      %dma_wait3A_61 = arith.constant 0 : i32
      %dma_wait3A_62 = arith.constant 0 : i32
      %dma_wait3A_63 = tpu.memref_slice %arg2[%dma_wait3A_61, %dma_wait3A_62] : memref<10008x40xf32, #tpu.memory_space<hbm>> -> memref<10008x40xf32, #tpu.memory_space<hbm>>
      tpu.wait_indirect_dma semaphore(%arg10 : memref<!tpu.dma_semaphore, #tpu.memory_space<semaphore_mem>>) src(%dma_wait3A_63 : memref<10008x40xf32, #tpu.memory_space<hbm>>) dst(%dma_wait3A_57 : memref<128x40xf32, #tpu.memory_space<vmem>>)
      "tpu.region"() ({
        %run_scoped3A = tpu.sem_alloc : memref<!tpu.dma_semaphore, #tpu.memory_space<semaphore_mem>>
        %dma_start3A_88 = arith.constant 0 : i32
        %dma_start3A_89 = arith.constant 0 : i32
        %dma_start3A_90 = tpu.memref_slice %arg8[%dma_start3A_88, %dma_start3A_89] : memref<256x40xf32, #tpu.memory_space<vmem>> -> memref<128x40xf32, #tpu.memory_space<vmem>>
        %dma_start3A_91 = arith.constant 0 : i32
        %dma_start3A_92 = tpu.memref_slice %arg7[%mul3A_42, %dma_start3A_91] : memref<80x128xi32, #tpu.memory_space<vmem>> -> memref<1x128xi32, #tpu.memory_space<vmem>>
        %dma_start3A_93 = tpu.memref_squeeze %dma_start3A_92 : memref<1x128xi32, #tpu.memory_space<vmem>> -> memref<128xi32, #tpu.memory_space<vmem>>
        %dma_start3A_94 = arith.constant 0 : i32
        %dma_start3A_95 = arith.constant 0 : i32
        %dma_start3A_96 = tpu.memref_slice %arg9[%dma_start3A_94, %dma_start3A_95] : memref<10000x40xf32, #tpu.memory_space<vmem_shared>> -> memref<10000x40xf32, #tpu.memory_space<vmem_shared>>
        tpu.enqueue_indirect_dma source(%dma_start3A_90 : memref<128x40xf32, #tpu.memory_space<vmem>>) target(%dma_start3A_96 : memref<10000x40xf32, #tpu.memory_space<vmem_shared>>) offsets(%dma_start3A_93 : memref<128xi32, #tpu.memory_space<vmem>>) semaphore(%run_scoped3A : memref<!tpu.dma_semaphore, #tpu.memory_space<semaphore_mem>>) {add = true}
        %dma_wait3A_97 = arith.constant 0 : i32
        %dma_wait3A_98 = arith.constant 0 : i32
        %dma_wait3A_99 = tpu.memref_slice %arg8[%dma_wait3A_97, %dma_wait3A_98] : memref<256x40xf32, #tpu.memory_space<vmem>> -> memref<128x40xf32, #tpu.memory_space<vmem>>
        %dma_wait3A_100 = arith.constant 0 : i32
        %dma_wait3A_101 = tpu.memref_slice %arg7[%mul3A_42, %dma_wait3A_100] : memref<80x128xi32, #tpu.memory_space<vmem>> -> memref<1x128xi32, #tpu.memory_space<vmem>>
        %dma_wait3A_102 = tpu.memref_squeeze %dma_wait3A_101 : memref<1x128xi32, #tpu.memory_space<vmem>> -> memref<128xi32, #tpu.memory_space<vmem>>
        %dma_wait3A_103 = arith.constant 0 : i32
        %dma_wait3A_104 = arith.constant 0 : i32
        %dma_wait3A_105 = tpu.memref_slice %arg9[%dma_wait3A_103, %dma_wait3A_104] : memref<10000x40xf32, #tpu.memory_space<vmem_shared>> -> memref<10000x40xf32, #tpu.memory_space<vmem_shared>>
        tpu.wait_indirect_dma semaphore(%run_scoped3A : memref<!tpu.dma_semaphore, #tpu.memory_space<semaphore_mem>>) src(%dma_wait3A_99 : memref<128x40xf32, #tpu.memory_space<vmem>>) dst(%dma_wait3A_105 : memref<10000x40xf32, #tpu.memory_space<vmem_shared>>)
        tpu.yield
      }) : () -> ()
      %add3A_64 = arith.constant 2 : i32
      %add3A_65 = arith.addi %mul3A_42, %add3A_64 : i32
      %rem3A = arith.constant 80 : i32
      %rem3A_66 = arith.remsi %add3A_65, %rem3A : i32
      %dma_start3A_67 = arith.constant 0 : i32
      %dma_start3A_68 = arith.constant 0 : i32
      %dma_start3A_69 = tpu.memref_slice %arg8[%dma_start3A_67, %dma_start3A_68] : memref<256x40xf32, #tpu.memory_space<vmem>> -> memref<128x40xf32, #tpu.memory_space<vmem>>
      %dma_start3A_70 = arith.constant 0 : i32
      %dma_start3A_71 = tpu.memref_slice %arg6[%rem3A_66, %dma_start3A_70] : memref<80x128xi32, #tpu.memory_space<vmem>> -> memref<1x128xi32, #tpu.memory_space<vmem>>
      %dma_start3A_72 = tpu.memref_squeeze %dma_start3A_71 : memref<1x128xi32, #tpu.memory_space<vmem>> -> memref<128xi32, #tpu.memory_space<vmem>>
      %dma_start3A_73 = arith.constant 0 : i32
      %dma_start3A_74 = arith.constant 0 : i32
      %dma_start3A_75 = tpu.memref_slice %arg2[%dma_start3A_73, %dma_start3A_74] : memref<10008x40xf32, #tpu.memory_space<hbm>> -> memref<10008x40xf32, #tpu.memory_space<hbm>>
      tpu.enqueue_indirect_dma source(%dma_start3A_75 : memref<10008x40xf32, #tpu.memory_space<hbm>>) target(%dma_start3A_69 : memref<128x40xf32, #tpu.memory_space<vmem>>) offsets(%dma_start3A_72 : memref<128xi32, #tpu.memory_space<vmem>>) semaphore(%arg10 : memref<!tpu.dma_semaphore, #tpu.memory_space<semaphore_mem>>)
      %dma_wait3A_76 = arith.constant 0 : i32
      %dma_wait3A_77 = arith.constant 128 : i32
      %dma_wait3A_78 = arith.constant 0 : i32
      %dma_wait3A_79 = tpu.memref_slice %arg8[%dma_wait3A_77, %dma_wait3A_78] : memref<256x40xf32, #tpu.memory_space<vmem>> -> memref<128x40xf32, #tpu.memory_space<vmem>>
      %dma_wait3A_80 = arith.constant 0 : i32
      %dma_wait3A_81 = tpu.memref_slice %arg6[%dma_wait3A_76, %dma_wait3A_80] : memref<80x128xi32, #tpu.memory_space<vmem>> -> memref<1x128xi32, #tpu.memory_space<vmem>>
      %dma_wait3A_82 = tpu.memref_squeeze %dma_wait3A_81 : memref<1x128xi32, #tpu.memory_space<vmem>> -> memref<128xi32, #tpu.memory_space<vmem>>
      %dma_wait3A_83 = arith.constant 0 : i32
      %dma_wait3A_84 = arith.constant 0 : i32
      %dma_wait3A_85 = tpu.memref_slice %arg2[%dma_wait3A_83, %dma_wait3A_84] : memref<10008x40xf32, #tpu.memory_space<hbm>> -> memref<10008x40xf32, #tpu.memory_space<hbm>>
      tpu.wait_indirect_dma semaphore(%arg11 : memref<!tpu.dma_semaphore, #tpu.memory_space<semaphore_mem>>) src(%dma_wait3A_85 : memref<10008x40xf32, #tpu.memory_space<hbm>>) dst(%dma_wait3A_79 : memref<128x40xf32, #tpu.memory_space<vmem>>)
      %add3A_86 = arith.constant 1 : i32
      %add3A_87 = arith.addi %mul3A_42, %add3A_86 : i32
      "tpu.region"() ({
        %run_scoped3A = tpu.sem_alloc : memref<!tpu.dma_semaphore, #tpu.memory_space<semaphore_mem>>
        %dma_start3A_88 = arith.constant 128 : i32
        %dma_start3A_89 = arith.constant 0 : i32
        %dma_start3A_90 = tpu.memref_slice %arg8[%dma_start3A_88, %dma_start3A_89] : memref<256x40xf32, #tpu.memory_space<vmem>> -> memref<128x40xf32, #tpu.memory_space<vmem>>
        %dma_start3A_91 = arith.constant 0 : i32
        %dma_start3A_92 = tpu.memref_slice %arg7[%add3A_87, %dma_start3A_91] : memref<80x128xi32, #tpu.memory_space<vmem>> -> memref<1x128xi32, #tpu.memory_space<vmem>>
        %dma_start3A_93 = tpu.memref_squeeze %dma_start3A_92 : memref<1x128xi32, #tpu.memory_space<vmem>> -> memref<128xi32, #tpu.memory_space<vmem>>
        %dma_start3A_94 = arith.constant 0 : i32
        %dma_start3A_95 = arith.constant 0 : i32
        %dma_start3A_96 = tpu.memref_slice %arg9[%dma_start3A_94, %dma_start3A_95] : memref<10000x40xf32, #tpu.memory_space<vmem_shared>> -> memref<10000x40xf32, #tpu.memory_space<vmem_shared>>
        tpu.enqueue_indirect_dma source(%dma_start3A_90 : memref<128x40xf32, #tpu.memory_space<vmem>>) target(%dma_start3A_96 : memref<10000x40xf32, #tpu.memory_space<vmem_shared>>) offsets(%dma_start3A_93 : memref<128xi32, #tpu.memory_space<vmem>>) semaphore(%run_scoped3A : memref<!tpu.dma_semaphore, #tpu.memory_space<semaphore_mem>>) {add = true}
        %dma_wait3A_97 = arith.constant 128 : i32
        %dma_wait3A_98 = arith.constant 0 : i32
        %dma_wait3A_99 = tpu.memref_slice %arg8[%dma_wait3A_97, %dma_wait3A_98] : memref<256x40xf32, #tpu.memory_space<vmem>> -> memref<128x40xf32, #tpu.memory_space<vmem>>
        %dma_wait3A_100 = arith.constant 0 : i32
        %dma_wait3A_101 = tpu.memref_slice %arg7[%add3A_87, %dma_wait3A_100] : memref<80x128xi32, #tpu.memory_space<vmem>> -> memref<1x128xi32, #tpu.memory_space<vmem>>
        %dma_wait3A_102 = tpu.memref_squeeze %dma_wait3A_101 : memref<1x128xi32, #tpu.memory_space<vmem>> -> memref<128xi32, #tpu.memory_space<vmem>>
        %dma_wait3A_103 = arith.constant 0 : i32
        %dma_wait3A_104 = arith.constant 0 : i32
        %dma_wait3A_105 = tpu.memref_slice %arg9[%dma_wait3A_103, %dma_wait3A_104] : memref<10000x40xf32, #tpu.memory_space<vmem_shared>> -> memref<10000x40xf32, #tpu.memory_space<vmem_shared>>
        tpu.wait_indirect_dma semaphore(%run_scoped3A : memref<!tpu.dma_semaphore, #tpu.memory_space<semaphore_mem>>) src(%dma_wait3A_99 : memref<128x40xf32, #tpu.memory_space<vmem>>) dst(%dma_wait3A_105 : memref<10000x40xf32, #tpu.memory_space<vmem_shared>>)
        tpu.yield
      }) : () -> ()
    }
    %scan3A_17 = arith.constant 40 : i32
    %dma_wait3A = arith.constant 0 : i32
    %dma_wait3A_18 = arith.constant 0 : i32
    %dma_wait3A_19 = arith.constant 0 : i32
    %dma_wait3A_20 = tpu.memref_slice %arg8[%dma_wait3A_18, %dma_wait3A_19] : memref<256x40xf32, #tpu.memory_space<vmem>> -> memref<128x40xf32, #tpu.memory_space<vmem>>
    %dma_wait3A_21 = arith.constant 0 : i32
    %dma_wait3A_22 = tpu.memref_slice %arg6[%dma_wait3A, %dma_wait3A_21] : memref<80x128xi32, #tpu.memory_space<vmem>> -> memref<1x128xi32, #tpu.memory_space<vmem>>
    %dma_wait3A_23 = tpu.memref_squeeze %dma_wait3A_22 : memref<1x128xi32, #tpu.memory_space<vmem>> -> memref<128xi32, #tpu.memory_space<vmem>>
    %dma_wait3A_24 = arith.constant 0 : i32
    %dma_wait3A_25 = arith.constant 0 : i32
    %dma_wait3A_26 = tpu.memref_slice %arg2[%dma_wait3A_24, %dma_wait3A_25] : memref<10008x40xf32, #tpu.memory_space<hbm>> -> memref<10008x40xf32, #tpu.memory_space<hbm>>
    tpu.wait_indirect_dma semaphore(%arg10 : memref<!tpu.dma_semaphore, #tpu.memory_space<semaphore_mem>>) src(%dma_wait3A_26 : memref<10008x40xf32, #tpu.memory_space<hbm>>) dst(%dma_wait3A_20 : memref<128x40xf32, #tpu.memory_space<vmem>>)
    %barrier3A_27 = arith.constant 0 : index
    tpu.barrier barrier_id(%barrier3A_27)
    %mul3A_28 = arith.constant 10000 : i32
    %mul3A_29 = arith.muli %arg0, %mul3A_28 : i32
    %add3A_30 = arith.addi %mul3A_29, %mul3A_2 : i32
    "tpu.region"() ({
      %run_scoped3A = tpu.sem_alloc : memref<!tpu.dma_semaphore, #tpu.memory_space<semaphore_mem>>
      %dma_start3A_36 = arith.constant 0 : i32
      %dma_start3A_37 = tpu.memref_slice %arg5[%add3A_30, %dma_start3A_36] : memref<20000x40xf32, #tpu.memory_space<hbm>> -> memref<624x40xf32, #tpu.memory_space<hbm>>
      %dma_start3A_38 = arith.constant 0 : i32
      %dma_start3A_39 = tpu.memref_slice %arg9[%mul3A_2, %dma_start3A_38] : memref<10000x40xf32, #tpu.memory_space<vmem_shared>> -> memref<624x40xf32, #tpu.memory_space<vmem_shared>>
      tpu.enqueue_dma source(%dma_start3A_39 : memref<624x40xf32, #tpu.memory_space<vmem_shared>>) target(%dma_start3A_37 : memref<624x40xf32, #tpu.memory_space<hbm>>) target_semaphore(%run_scoped3A : memref<!tpu.dma_semaphore, #tpu.memory_space<semaphore_mem>>)
      %dma_wait3A_40 = arith.constant 0 : i32
      %dma_wait3A_41 = tpu.memref_slice %arg5[%add3A_30, %dma_wait3A_40] : memref<20000x40xf32, #tpu.memory_space<hbm>> -> memref<624x40xf32, #tpu.memory_space<hbm>>
      %dma_wait3A_42 = arith.constant 0 : i32
      %dma_wait3A_43 = tpu.memref_slice %arg9[%mul3A_2, %dma_wait3A_42] : memref<10000x40xf32, #tpu.memory_space<vmem_shared>> -> memref<624x40xf32, #tpu.memory_space<vmem_shared>>
      tpu.wait_dma2 semaphore(%run_scoped3A : memref<!tpu.dma_semaphore, #tpu.memory_space<semaphore_mem>>) src(%dma_wait3A_43 : memref<624x40xf32, #tpu.memory_space<vmem_shared>>) dst(%dma_wait3A_41 : memref<624x40xf32, #tpu.memory_space<hbm>>)
      tpu.yield
    }) : () -> ()
    %eq3A_31 = arith.constant 15 : i32
    %eq3A_32 = arith.cmpi eq, %arg1, %eq3A_31 : i32
    %convert_element_type3A_33 = arith.extui %eq3A_32 : i1 to i32
    %cond3A_34 = arith.constant 0 : i32
    %cond3A_35 = arith.cmpi ne, %convert_element_type3A_33, %cond3A_34 : i32
    scf.if %cond3A_35 {
      %mul3A_36 = arith.constant 10000 : i32
      %mul3A_37 = arith.muli %arg0, %mul3A_36 : i32
      %add3A_38 = arith.constant 9984 : i32
      %add3A_39 = arith.addi %mul3A_37, %add3A_38 : i32
      "tpu.region"() ({
        %run_scoped3A = tpu.sem_alloc : memref<!tpu.dma_semaphore, #tpu.memory_space<semaphore_mem>>
        %dma_start3A_40 = arith.constant 0 : i32
        %dma_start3A_41 = tpu.memref_slice %arg5[%add3A_39, %dma_start3A_40] : memref<20000x40xf32, #tpu.memory_space<hbm>> -> memref<16x40xf32, #tpu.memory_space<hbm>>
        %dma_start3A_42 = arith.constant 9984 : i32
        %dma_start3A_43 = arith.constant 0 : i32
        %dma_start3A_44 = tpu.memref_slice %arg9[%dma_start3A_42, %dma_start3A_43] : memref<10000x40xf32, #tpu.memory_space<vmem_shared>> -> memref<16x40xf32, #tpu.memory_space<vmem_shared>>
        tpu.enqueue_dma source(%dma_start3A_44 : memref<16x40xf32, #tpu.memory_space<vmem_shared>>) target(%dma_start3A_41 : memref<16x40xf32, #tpu.memory_space<hbm>>) target_semaphore(%run_scoped3A : memref<!tpu.dma_semaphore, #tpu.memory_space<semaphore_mem>>)
        %dma_wait3A_45 = arith.constant 0 : i32
        %dma_wait3A_46 = tpu.memref_slice %arg5[%add3A_39, %dma_wait3A_45] : memref<20000x40xf32, #tpu.memory_space<hbm>> -> memref<16x40xf32, #tpu.memory_space<hbm>>
        %dma_wait3A_47 = arith.constant 9984 : i32
        %dma_wait3A_48 = arith.constant 0 : i32
        %dma_wait3A_49 = tpu.memref_slice %arg9[%dma_wait3A_47, %dma_wait3A_48] : memref<10000x40xf32, #tpu.memory_space<vmem_shared>> -> memref<16x40xf32, #tpu.memory_space<vmem_shared>>
        tpu.wait_dma2 semaphore(%run_scoped3A : memref<!tpu.dma_semaphore, #tpu.memory_space<semaphore_mem>>) src(%dma_wait3A_49 : memref<16x40xf32, #tpu.memory_space<vmem_shared>>) dst(%dma_wait3A_46 : memref<16x40xf32, #tpu.memory_space<hbm>>)
        tpu.yield
      }) : () -> ()
    } else {
    }
    return
  }
}

module attributes {stable_mosaic.version = 14 : i64} {
  func.func @_tc1_body(%arg0: i32, %arg1: memref<32x1024xf32, #tpu.memory_space<vmem>>, %arg2: memref<1024x128xf32, #tpu.memory_space<vmem>>, %arg3: memref<128x128xf32, #tpu.memory_space<vmem>>, %arg4: memref<1024x128xf32, #tpu.memory_space<vmem>>, %arg5: memref<1024x8xf32, #tpu.memory_space<vmem>>) attributes {dimension_semantics = [#tpu.dimension_semantics<arbitrary>], iteration_bounds = array<i64: 10>, scalar_prefetch = 0 : i64, scratch_operands = 0 : i64, tpu.core_type = #tpu.core_type<tc>, window_params = [{transform_indices = @transform_0, window_bounds = array<i64: 32, 1024>}, {transform_indices = @transform_1, window_bounds = array<i64: 1024, 128>}, {pipeline_mode = #tpu.pipeline_mode<synchronous>, transform_indices = @transform_2, window_bounds = array<i64: 128, 128>}, {transform_indices = @transform_3, window_bounds = array<i64: 1024, 128>}, {transform_indices = @transform_4, window_bounds = array<i64: 1024, 8>}]} {
    %get3A = arith.constant 0 : index
    %get3A_0 = arith.constant 0 : index
    %get3A_1 = vector.load %arg1[%get3A, %get3A_0] : memref<32x1024xf32, #tpu.memory_space<vmem>>, vector<32x1024xf32>
    %reduce_sum3A = arith.constant dense<0.000000e+00> : vector<1024xf32>
    %reduce_sum3A_2 = vector.multi_reduction <add>, %get3A_1, %reduce_sum3A [0] : vector<32x1024xf32> to vector<1024xf32>
    %broadcast_in_dim3A = vector.shape_cast %reduce_sum3A_2 : vector<1024xf32> to vector<1x1024xf32>
    %add3A = arith.constant 1.000000e+00 : f32
    %add3A_3 = vector.broadcast %add3A : f32 to vector<1x1024xf32>
    %add3A_4 = arith.addf %broadcast_in_dim3A, %add3A_3 : vector<1x1024xf32>
    %rsqrt3A = math.rsqrt %add3A_4 : vector<1x1024xf32>
    %reshape3A = vector.shape_cast %rsqrt3A : vector<1x1024xf32> to vector<1024x1xf32>
    %get3A_5 = arith.constant 0 : index
    %get3A_6 = arith.constant 0 : index
    %get3A_7 = vector.load %arg2[%get3A_5, %get3A_6] : memref<1024x128xf32, #tpu.memory_space<vmem>>, vector<1024x128xf32>
    %get3A_8 = arith.constant 0 : index
    %get3A_9 = arith.constant 0 : index
    %get3A_10 = vector.load %arg3[%get3A_8, %get3A_9] : memref<128x128xf32, #tpu.memory_space<vmem>>, vector<128x128xf32>
    %dot_general3A = arith.constant dense<0.000000e+00> : vector<1024x128xf32>
    %dot_general3A_11 = tpu.matmul %get3A_7, %get3A_10, %dot_general3A {dimension_numbers = #tpu.dot_dimension_numbers<[1], [0], [0], [1], [0, 0, 1, 1], [], []>, transpose_lhs_hint = false} : vector<1024x128xf32>, vector<128x128xf32>, vector<1024x128xf32> -> vector<1024x128xf32>
    %mul3A = arith.constant 1024 : i32
    %mul3A_12 = arith.muli %arg0, %mul3A : i32
    %iota3A = tpu.iota {dimensions = array<i32: 0>} : vector<1024x1xi32>
    %add3A_13 = vector.broadcast %mul3A_12 : i32 to vector<1024x1xi32>
    %add3A_14 = arith.addi %add3A_13, %iota3A : vector<1024x1xi32>
    %lt3A = arith.constant 10000 : i32
    %lt3A_15 = vector.broadcast %lt3A : i32 to vector<1024x1xi32>
    %lt3A_16 = arith.cmpi slt, %add3A_14, %lt3A_15 : vector<1024x1xi32>
    %mul3A_17 = vector.broadcast %reshape3A : vector<1024x1xf32> to vector<1024x128xf32>
    %mul3A_18 = arith.mulf %mul3A_17, %dot_general3A_11 : vector<1024x128xf32>
    %jit3A = arith.constant 0.000000e+00 : f32
    %broadcast_in_dim3A_19 = vector.shape_cast %lt3A_16 : vector<1024x1xi1> to vector<1024x1xi1>
    %broadcast_in_dim3A_20 = vector.broadcast %broadcast_in_dim3A_19 : vector<1024x1xi1> to vector<1024x128xi1>
    %broadcast_in_dim3A_21 = vector.broadcast %jit3A : f32 to vector<1024x128xf32>
    %select_n3A = arith.select %broadcast_in_dim3A_20, %mul3A_18, %broadcast_in_dim3A_21 : vector<1024x128xi1>, vector<1024x128xf32>
    %swap3A = arith.constant 0 : index
    %swap3A_22 = arith.constant 0 : index
    %swap3A_23 = vector.load %arg4[%swap3A, %swap3A_22] : memref<1024x128xf32, #tpu.memory_space<vmem>>, vector<1024x128xf32>
    tpu.vector_store %arg4[%swap3A, %swap3A_22], %select_n3A {strides = array<i32>} : memref<1024x128xf32, #tpu.memory_space<vmem>>, vector<1024x128xf32>,
    %broadcast_in_dim3A_24 = vector.shape_cast %reshape3A : vector<1024x1xf32> to vector<1024x1xf32>
    %broadcast_in_dim3A_25 = vector.broadcast %broadcast_in_dim3A_24 : vector<1024x1xf32> to vector<1024x8xf32>
    %swap3A_26 = arith.constant 0 : index
    %swap3A_27 = arith.constant 0 : index
    %swap3A_28 = vector.load %arg5[%swap3A_26, %swap3A_27] : memref<1024x8xf32, #tpu.memory_space<vmem>>, vector<1024x8xf32>
    tpu.vector_store %arg5[%swap3A_26, %swap3A_27], %broadcast_in_dim3A_25 {strides = array<i32>} : memref<1024x8xf32, #tpu.memory_space<vmem>>, vector<1024x8xf32>,
    return
  }
  func.func @transform_0(%arg0: i32) -> (i32, i32) {
    %c0_i32 = arith.constant 0 : i32
    %c0_i32_0 = arith.constant 0 : i32
    return %c0_i32, %arg0 : i32, i32
  }
  func.func @transform_1(%arg0: i32) -> (i32, i32) {
    %c0_i32 = arith.constant 0 : i32
    %c0_i32_0 = arith.constant 0 : i32
    return %arg0, %c0_i32 : i32, i32
  }
  func.func @transform_2(%arg0: i32) -> (i32, i32) {
    %c0_i32 = arith.constant 0 : i32
    %c0_i32_0 = arith.constant 0 : i32
    %c0_i32_1 = arith.constant 0 : i32
    return %c0_i32, %c0_i32_0 : i32, i32
  }
  func.func @transform_3(%arg0: i32) -> (i32, i32) {
    %c0_i32 = arith.constant 0 : i32
    %c0_i32_0 = arith.constant 0 : i32
    return %arg0, %c0_i32 : i32, i32
  }
  func.func @transform_4(%arg0: i32) -> (i32, i32) {
    %c0_i32 = arith.constant 0 : i32
    %c0_i32_0 = arith.constant 0 : i32
    return %arg0, %c0_i32 : i32, i32
  }
}

module attributes {stable_mosaic.version = 14 : i64} {
  func.func @_tc2_body(%arg0: i32, %arg1: memref<1024x128xf32, #tpu.memory_space<vmem>>, %arg2: memref<1024x128xf32, #tpu.memory_space<vmem>>, %arg3: memref<1024x128xf32, #tpu.memory_space<vmem>>, %arg4: memref<1024x8xf32, #tpu.memory_space<vmem>>, %arg5: memref<1x128xf32, #tpu.memory_space<vmem>>, %arg6: memref<128x40xf32, #tpu.memory_space<vmem>>, %arg7: memref<1024x40xf32, #tpu.memory_space<vmem>>) attributes {dimension_semantics = [#tpu.dimension_semantics<arbitrary>], iteration_bounds = array<i64: 10>, scalar_prefetch = 0 : i64, scratch_operands = 0 : i64, tpu.core_type = #tpu.core_type<tc>, window_params = [{transform_indices = @transform_0, window_bounds = array<i64: 1024, 128>}, {transform_indices = @transform_1, window_bounds = array<i64: 1024, 128>}, {transform_indices = @transform_2, window_bounds = array<i64: 1024, 128>}, {transform_indices = @transform_3, window_bounds = array<i64: 1024, 8>}, {pipeline_mode = #tpu.pipeline_mode<synchronous>, transform_indices = @transform_4, window_bounds = array<i64: 1, 128>}, {pipeline_mode = #tpu.pipeline_mode<synchronous>, transform_indices = @transform_5, window_bounds = array<i64: 128, 40>}, {transform_indices = @transform_6, window_bounds = array<i64: 1024, 40>}]} {
    %get3A = arith.constant 0 : index
    %get3A_0 = arith.constant 0 : index
    %get3A_1 = vector.load %arg4[%get3A, %get3A_0] : memref<1024x8xf32, #tpu.memory_space<vmem>>, vector<1024x1xf32>
    %get3A_2 = arith.constant 0 : index
    %get3A_3 = arith.constant 0 : index
    %get3A_4 = vector.load %arg1[%get3A_2, %get3A_3] : memref<1024x128xf32, #tpu.memory_space<vmem>>, vector<1024x128xf32>
    %get3A_5 = arith.constant 0 : index
    %get3A_6 = arith.constant 0 : index
    %get3A_7 = vector.load %arg2[%get3A_5, %get3A_6] : memref<1024x128xf32, #tpu.memory_space<vmem>>, vector<1024x128xf32>
    %add3A = arith.addf %get3A_4, %get3A_7 : vector<1024x128xf32>
    %get3A_8 = arith.constant 0 : index
    %get3A_9 = arith.constant 0 : index
    %get3A_10 = vector.load %arg3[%get3A_8, %get3A_9] : memref<1024x128xf32, #tpu.memory_space<vmem>>, vector<1024x128xf32>
    %sub3A = arith.subf %add3A, %get3A_10 : vector<1024x128xf32>
    %mul3A = vector.broadcast %get3A_1 : vector<1024x1xf32> to vector<1024x128xf32>
    %mul3A_11 = arith.mulf %mul3A, %sub3A : vector<1024x128xf32>
    %get3A_12 = arith.constant 0 : index
    %get3A_13 = arith.constant 0 : index
    %get3A_14 = vector.load %arg5[%get3A_12, %get3A_13] : memref<1x128xf32, #tpu.memory_space<vmem>>, vector<1x128xf32>
    %add3A_15 = vector.broadcast %get3A_14 : vector<1x128xf32> to vector<1024x128xf32>
    %add3A_16 = arith.addf %mul3A_11, %add3A_15 : vector<1024x128xf32>
    %max3A = arith.constant 0.000000e+00 : f32
    %max3A_17 = vector.broadcast %max3A : f32 to vector<1024x128xf32>
    %max3A_18 = arith.maximumf %add3A_16, %max3A_17 : vector<1024x128xf32>
    %get3A_19 = arith.constant 0 : index
    %get3A_20 = arith.constant 0 : index
    %get3A_21 = vector.load %arg6[%get3A_19, %get3A_20] : memref<128x40xf32, #tpu.memory_space<vmem>>, vector<128x40xf32>
    %dot_general3A = arith.constant dense<0.000000e+00> : vector<1024x40xf32>
    %dot_general3A_22 = tpu.matmul %max3A_18, %get3A_21, %dot_general3A {dimension_numbers = #tpu.dot_dimension_numbers<[1], [0], [0], [1], [0, 0, 1, 1], [], []>, transpose_lhs_hint = false} : vector<1024x128xf32>, vector<128x40xf32>, vector<1024x40xf32> -> vector<1024x40xf32>
    %mul3A_23 = vector.broadcast %get3A_1 : vector<1024x1xf32> to vector<1024x40xf32>
    %mul3A_24 = arith.mulf %mul3A_23, %dot_general3A_22 : vector<1024x40xf32>
    %mul3A_25 = arith.constant 1024 : i32
    %mul3A_26 = arith.muli %arg0, %mul3A_25 : i32
    %iota3A = tpu.iota {dimensions = array<i32: 0>} : vector<1024x1xi32>
    %add3A_27 = vector.broadcast %mul3A_26 : i32 to vector<1024x1xi32>
    %add3A_28 = arith.addi %add3A_27, %iota3A : vector<1024x1xi32>
    %lt3A = arith.constant 10000 : i32
    %lt3A_29 = vector.broadcast %lt3A : i32 to vector<1024x1xi32>
    %lt3A_30 = arith.cmpi slt, %add3A_28, %lt3A_29 : vector<1024x1xi32>
    %jit3A = arith.constant 0.000000e+00 : f32
    %broadcast_in_dim3A = vector.shape_cast %lt3A_30 : vector<1024x1xi1> to vector<1024x1xi1>
    %broadcast_in_dim3A_31 = vector.broadcast %broadcast_in_dim3A : vector<1024x1xi1> to vector<1024x40xi1>
    %broadcast_in_dim3A_32 = vector.broadcast %jit3A : f32 to vector<1024x40xf32>
    %select_n3A = arith.select %broadcast_in_dim3A_31, %mul3A_24, %broadcast_in_dim3A_32 : vector<1024x40xi1>, vector<1024x40xf32>
    %swap3A = arith.constant 0 : index
    %swap3A_33 = arith.constant 0 : index
    %swap3A_34 = vector.load %arg7[%swap3A, %swap3A_33] : memref<1024x40xf32, #tpu.memory_space<vmem>>, vector<1024x40xf32>
    tpu.vector_store %arg7[%swap3A, %swap3A_33], %select_n3A {strides = array<i32>} : memref<1024x40xf32, #tpu.memory_space<vmem>>, vector<1024x40xf32>,
    return
  }
  func.func @transform_0(%arg0: i32) -> (i32, i32) {
    %c0_i32 = arith.constant 0 : i32
    %c0_i32_0 = arith.constant 0 : i32
    return %arg0, %c0_i32 : i32, i32
  }
  func.func @transform_1(%arg0: i32) -> (i32, i32) {
    %c0_i32 = arith.constant 0 : i32
    %c0_i32_0 = arith.constant 0 : i32
    return %arg0, %c0_i32 : i32, i32
  }
  func.func @transform_2(%arg0: i32) -> (i32, i32) {
    %c0_i32 = arith.constant 0 : i32
    %c0_i32_0 = arith.constant 0 : i32
    return %arg0, %c0_i32 : i32, i32
  }
  func.func @transform_3(%arg0: i32) -> (i32, i32) {
    %c0_i32 = arith.constant 0 : i32
    %c0_i32_0 = arith.constant 0 : i32
    return %arg0, %c0_i32 : i32, i32
  }
  func.func @transform_4(%arg0: i32) -> (i32, i32) {
    %c0_i32 = arith.constant 0 : i32
    %c0_i32_0 = arith.constant 0 : i32
    %c0_i32_1 = arith.constant 0 : i32
    return %c0_i32, %c0_i32_0 : i32, i32
  }
  func.func @transform_5(%arg0: i32) -> (i32, i32) {
    %c0_i32 = arith.constant 0 : i32
    %c0_i32_0 = arith.constant 0 : i32
    %c0_i32_1 = arith.constant 0 : i32
    return %c0_i32, %c0_i32_0 : i32, i32
  }
  func.func @transform_6(%arg0: i32) -> (i32, i32) {
    %c0_i32 = arith.constant 0 : i32
    %c0_i32_0 = arith.constant 0 : i32
    return %arg0, %c0_i32 : i32, i32
  }
}

module attributes {stable_mosaic.version = 14 : i64} {
  func.func @_tc3_body(%arg0: i32, %arg1: memref<1024x40xf32, #tpu.memory_space<vmem>>, %arg2: memref<1024x40xf32, #tpu.memory_space<vmem>>, %arg3: memref<1024x40xf32, #tpu.memory_space<vmem>>, %arg4: memref<1024x8xf32, #tpu.memory_space<vmem>>, %arg5: memref<1x40xf32, #tpu.memory_space<vmem>>, %arg6: memref<1024x40xf32, #tpu.memory_space<vmem>>) attributes {dimension_semantics = [#tpu.dimension_semantics<arbitrary>], iteration_bounds = array<i64: 10>, scalar_prefetch = 0 : i64, scratch_operands = 0 : i64, tpu.core_type = #tpu.core_type<tc>, window_params = [{transform_indices = @transform_0, window_bounds = array<i64: 1024, 40>}, {transform_indices = @transform_1, window_bounds = array<i64: 1024, 40>}, {transform_indices = @transform_2, window_bounds = array<i64: 1024, 40>}, {transform_indices = @transform_3, window_bounds = array<i64: 1024, 8>}, {pipeline_mode = #tpu.pipeline_mode<synchronous>, transform_indices = @transform_4, window_bounds = array<i64: 1, 40>}, {transform_indices = @transform_5, window_bounds = array<i64: 1024, 40>}]} {
    %get3A = arith.constant 0 : index
    %get3A_0 = arith.constant 0 : index
    %get3A_1 = vector.load %arg4[%get3A, %get3A_0] : memref<1024x8xf32, #tpu.memory_space<vmem>>, vector<1024x1xf32>
    %get3A_2 = arith.constant 0 : index
    %get3A_3 = arith.constant 0 : index
    %get3A_4 = vector.load %arg1[%get3A_2, %get3A_3] : memref<1024x40xf32, #tpu.memory_space<vmem>>, vector<1024x40xf32>
    %get3A_5 = arith.constant 0 : index
    %get3A_6 = arith.constant 0 : index
    %get3A_7 = vector.load %arg2[%get3A_5, %get3A_6] : memref<1024x40xf32, #tpu.memory_space<vmem>>, vector<1024x40xf32>
    %add3A = arith.addf %get3A_4, %get3A_7 : vector<1024x40xf32>
    %get3A_8 = arith.constant 0 : index
    %get3A_9 = arith.constant 0 : index
    %get3A_10 = vector.load %arg3[%get3A_8, %get3A_9] : memref<1024x40xf32, #tpu.memory_space<vmem>>, vector<1024x40xf32>
    %sub3A = arith.subf %add3A, %get3A_10 : vector<1024x40xf32>
    %mul3A = vector.broadcast %get3A_1 : vector<1024x1xf32> to vector<1024x40xf32>
    %mul3A_11 = arith.mulf %mul3A, %sub3A : vector<1024x40xf32>
    %get3A_12 = arith.constant 0 : index
    %get3A_13 = arith.constant 0 : index
    %get3A_14 = vector.load %arg5[%get3A_12, %get3A_13] : memref<1x40xf32, #tpu.memory_space<vmem>>, vector<1x40xf32>
    %add3A_15 = vector.broadcast %get3A_14 : vector<1x40xf32> to vector<1024x40xf32>
    %add3A_16 = arith.addf %mul3A_11, %add3A_15 : vector<1024x40xf32>
    %reduce_max3A = arith.constant dense<0xFF800000> : vector<1024xf32>
    %reduce_max3A_17 = vector.multi_reduction <maximumf>, %add3A_16, %reduce_max3A [1] : vector<1024x40xf32> to vector<1024xf32>
    %broadcast_in_dim3A = vector.shape_cast %reduce_max3A_17 : vector<1024xf32> to vector<1024x1xf32>
    %sub3A_18 = vector.broadcast %broadcast_in_dim3A : vector<1024x1xf32> to vector<1024x40xf32>
    %sub3A_19 = arith.subf %add3A_16, %sub3A_18 : vector<1024x40xf32>
    %exp3A = math.exp %sub3A_19 : vector<1024x40xf32>
    %reduce_sum3A = arith.constant dense<0.000000e+00> : vector<1024xf32>
    %reduce_sum3A_20 = vector.multi_reduction <add>, %exp3A, %reduce_sum3A [1] : vector<1024x40xf32> to vector<1024xf32>
    %broadcast_in_dim3A_21 = vector.shape_cast %reduce_sum3A_20 : vector<1024xf32> to vector<1024x1xf32>
    %log3A = math.log %broadcast_in_dim3A_21 : vector<1024x1xf32>
    %add3A_22 = arith.addf %broadcast_in_dim3A, %log3A : vector<1024x1xf32>
    %sub3A_23 = vector.broadcast %add3A_22 : vector<1024x1xf32> to vector<1024x40xf32>
    %sub3A_24 = arith.subf %add3A_16, %sub3A_23 : vector<1024x40xf32>
    %swap3A = arith.constant 0 : index
    %swap3A_25 = arith.constant 0 : index
    %swap3A_26 = vector.load %arg6[%swap3A, %swap3A_25] : memref<1024x40xf32, #tpu.memory_space<vmem>>, vector<1024x40xf32>
    tpu.vector_store %arg6[%swap3A, %swap3A_25], %sub3A_24 {strides = array<i32>} : memref<1024x40xf32, #tpu.memory_space<vmem>>, vector<1024x40xf32>,
    return
  }
  func.func @transform_0(%arg0: i32) -> (i32, i32) {
    %c0_i32 = arith.constant 0 : i32
    %c0_i32_0 = arith.constant 0 : i32
    return %arg0, %c0_i32 : i32, i32
  }
  func.func @transform_1(%arg0: i32) -> (i32, i32) {
    %c0_i32 = arith.constant 0 : i32
    %c0_i32_0 = arith.constant 0 : i32
    return %arg0, %c0_i32 : i32, i32
  }
  func.func @transform_2(%arg0: i32) -> (i32, i32) {
    %c0_i32 = arith.constant 0 : i32
    %c0_i32_0 = arith.constant 0 : i32
    return %arg0, %c0_i32 : i32, i32
  }
  func.func @transform_3(%arg0: i32) -> (i32, i32) {
    %c0_i32 = arith.constant 0 : i32
    %c0_i32_0 = arith.constant 0 : i32
    return %arg0, %c0_i32 : i32, i32
  }
  func.func @transform_4(%arg0: i32) -> (i32, i32) {
    %c0_i32 = arith.constant 0 : i32
    %c0_i32_0 = arith.constant 0 : i32
    %c0_i32_1 = arith.constant 0 : i32
    return %c0_i32, %c0_i32_0 : i32, i32
  }
  func.func @transform_5(%arg0: i32) -> (i32, i32) {
    %c0_i32 = arith.constant 0 : i32
    %c0_i32_0 = arith.constant 0 : i32
    return %arg0, %c0_i32 : i32, i32
  }
}

</mosaic_0001>

<sc_bundles>
// kernel: kernel.11.cloned.1.call-start
scs
__scs_entry_jumppad:
0x0: {  	(pc) =	sbr.rel $0x88, $3  }
0x1: {  	(tag) =	ssettag $0x0;
	lr =	simm.s32 $0x1  }
0x2: {  	[smem:$0x3F9B] =	sst lr;
	_ =	strace $0xD0000000  }
0x3: {  	_ = 	snop  }
0x4: {  	_ = 	snop  }
0x5: {  	_ = 	snop  }
0x6: {  	_ = 	snop  }
0x7: {  	_ = 	snop  }
__scs_overlays_trampoline_lowered:
0x8: {  	[smem:$0x3FAA] =	sst s0  }
0x9: {  	[smem:$0x3FAB] =	sst s1  }
0xa: {  	[smem:$0x3FAC] =	sst s2  }
0xb: {  	[smem:$0x3FAD] =	sst s3  }
0xc: {  	[smem:$0x3FAE] =	sst s4  }
0xd: {  	[smem:$0x3FAF] =	sst s5  }
0xe: {  	[smem:$0x3FB0] =	sst s6  }
0xf: {  	[smem:$0x3FB1] =	sst s7  }
0x10: {  	[smem:$0x3FB2] =	sst s8  }
0x11: {  	[smem:$0x3FB3] =	sst s9;
	s0 =	simm.s32 @!p0 $0x0  }
0x12: {  	s1 =	sld [smem:$0x3F99];
	s0 =	simm.s32 @p0 $0x1  }
0x13: {  	[smem:$0x3FB4] =	sst s0;
	s0 =	simm.s32 @!p1 $0x0  }
0x14: {  	s2 =	sld [smem:$0x3F98];
	s0 =	simm.s32 @p1 $0x1  }
0x15: {  	[smem:$0x3FB5] =	sst s0;
	s0 =	simm.s32 @!p2 $0x0  }
0x16: {  	s3 =	sld [smem:$0x3FDB];
	s0 =	simm.s32 @p2 $0x1  }
0x17: {  	s4 =	simm.s32 $0x1BF5;
	[smem:$0x3FB7] =	sst s0  }
0x18: {  	s0 =	sld [smem:$0x3F9A];
	_ =	swait.ge [sflag:s4], $0x0  }
0x19: {  	s7 =	sld [smem:$0x3F9B]  }
0x1a: {  	s8 =	sadd.s32 $0xFFFFE003, lr  }
0x1b: {  	s9 =	sadd.s32 $0xFFFFFEF7, lr;
	s5 =	simm.s32 $0xFFFFFFFF;
	p2 =	slt.u32 s8, $0xFFFFF086  }
0x1c: {  	p1 =	slt.u32 s9, $0xF7A;
	s5 =	simm.s32 @!p2 $0x0  }
0x1d: {  	s5 =	simm.s32 @p1 $0x1;
	p0 =	seq.s32 s7, s2  }
0x1e: {  	s7 =	smul.u32 @!p0 $0xF7A, s2;
	p2 =	seq.s32 @!p0 s5, $0x0  }
0x1f: {  	s9 =	smul.u32 $0xF7A, s1;
	s8 =	simm.s32 @!p0 $0x1BF5;
	p2 =	por !p2, p0  }
0x20: {  	[sflag:s8] =	ssyncset.s32 @!p0 $0xFFFFF086;
	s6 =	sadd.s32 @!p0 s3, s7;
	s7 =	simm.s32 @!p0 $0x108  }
0x21: {  	s3 =	sadd.s32 s3, s9;
	s6 =	sadd.s32 @!p0 $0x88, s6;
	s7 =	simm.s32 @p2 $0x1082  }
0x22: {  	[simem:s7], [sflag:s8] =	dma.local @!p0 [hbm:s6], $0xF7A  }
0x23: {  	s9 =	sor.u32 $0xD0000000, s2;
	s6 =	simm.s32 $0x108;
	_ =	swait.ge @!p0 [sflag:s8], $0x0  }
0x24: {  	s3 =	sadd.s32 $0x88, s3;
	s6 =	simm.s32 @!p1 $0x1082;
	[sflag:s4] =	ssyncset.s32 $0xFFFFF086  }
0x25: {  	[simem:s6], [sflag:s4] =	dma.local [hbm:s3], $0xF7A  }
0x26: {  	[smem:$0x3F9B] =	sst s1;
	(tag) =	ssettag s2;
	_ =	strace s9  }
0x27: {  	s1 =	sld [smem:$0x3FAB]  }
0x28: {  	s2 =	sld [smem:$0x3FAC]  }
0x29: {  	s4 =	sld [smem:$0x3FAE]  }
0x2a: {  	p0 =	seq.s32 s5, $0x0;
	s5 =	sld [smem:$0x3FAF]  }
0x2b: {  	s6 =	sld [smem:$0x3FB0]  }
0x2c: {  	s7 =	sld [smem:$0x3FB1]  }
0x2d: {  	s3 =	simm.s32 $0x108;
	s8 =	sld [smem:$0x3FB2]  }
0x2e: {  	s3 =	simm.s32 @!p0 $0x1082;
	s9 =	sld [smem:$0x3FB3]  }
0x2f: {  	lr =	sadd.s32 s0, s3;
	s0 =	sld [smem:$0x3FAA]  }
0x30: {  	s3 =	sld [smem:$0x3FAD]  }
0x31: {  	[smem:$0x3FB6] =	sst s10  }
0x32: {  	s10 =	sld [smem:$0x3FB4];
	_ =	sdelay $0x3  }
0x33: {  	p0 =	seq.s32 s10, $0x1;
	s10 =	sld [smem:$0x3FB6];
	_ =	sdelay $0x3  }
0x34: {  	[smem:$0x3FB6] =	sst s10  }
0x35: {  	s10 =	sld [smem:$0x3FB5];
	_ =	sdelay $0x3  }
0x36: {  	p1 =	seq.s32 s10, $0x1;
	s10 =	sld [smem:$0x3FB6];
	_ =	sdelay $0x3  }
0x37: {  	[smem:$0x3FB6] =	sst s10  }
0x38: {  	s10 =	sld [smem:$0x3FB7]  }
0x39: {  	_ = 	snop;
	(pc) =	sbr.ind lr, $3  }
0x3a: {  	_ = 	snop  }
0x3b: {  	_ = 	snop  }
0x3c: {  	p2 =	seq.s32 s10, $0x1;
	s10 =	sld [smem:$0x3FB6]  }
0x3d: {  	_ =	shalt  }
0x3e: {  	_ =	shalt  }
0x3f: {  	_ =	shalt  }
0x40: {  	_ =	shalt  }
0x41: {  	_ =	shalt  }
0x42: {  	_ =	shalt  }
0x43: {  	_ =	shalt  }
0x44: {  	_ =	shalt  }
0x45: {  	_ =	shalt  }
0x46: {  	_ =	shalt  }
0x47: {  	_ =	shalt  }
0x48: {  	_ =	shalt  }
0x49: {  	_ =	shalt  }
0x4a: {  	_ =	shalt  }
0x4b: {  	_ =	shalt  }
0x4c: {  	_ =	shalt  }
0x4d: {  	_ =	shalt  }
0x4e: {  	_ =	shalt  }
0x4f: {  	_ =	shalt  }
0x50: {  	_ =	shalt  }
0x51: {  	_ =	shalt  }
0x52: {  	_ =	shalt  }
0x53: {  	_ =	shalt  }
0x54: {  	_ =	shalt  }
0x55: {  	_ =	shalt  }
0x56: {  	_ =	shalt  }
0x57: {  	_ =	shalt  }
0x58: {  	_ =	shalt  }
0x59: {  	_ =	shalt  }
0x5a: {  	_ =	shalt  }
0x5b: {  	_ =	shalt  }
0x5c: {  	_ =	shalt  }
0x5d: {  	_ =	shalt  }
0x5e: {  	_ =	shalt  }
0x5f: {  	_ =	shalt  }
0x60: {  	_ =	shalt  }
0x61: {  	_ =	shalt  }
0x62: {  	_ =	shalt  }
0x63: {  	_ =	shalt  }
0x64: {  	_ =	shalt  }
0x65: {  	_ =	shalt  }
0x66: {  	_ =	shalt  }
0x67: {  	_ =	shalt  }
0x68: {  	_ =	shalt  }
0x69: {  	_ =	shalt  }
0x6a: {  	_ =	shalt  }
0x6b: {  	_ =	shalt  }
0x6c: {  	_ =	shalt  }
0x6d: {  	_ =	shalt  }
0x6e: {  	_ =	shalt  }
0x6f: {  	_ =	shalt  }
0x70: {  	_ =	shalt  }
0x71: {  	_ =	shalt  }
0x72: {  	_ =	shalt  }
0x73: {  	_ =	shalt  }
0x74: {  	_ =	shalt  }
0x75: {  	_ =	shalt  }
0x76: {  	_ =	shalt  }
0x77: {  	_ =	shalt  }
0x78: {  	_ =	shalt  }
0x79: {  	_ =	shalt  }
0x7a: {  	_ =	shalt  }
0x7b: {  	_ =	shalt  }
0x7c: {  	_ =	shalt  }
0x7d: {  	_ =	shalt  }
0x7e: {  	_ =	shalt  }
0x7f: {  	_ =	shalt  }
0x80: {  	_ =	shalt  }
0x81: {  	_ =	shalt  }
0x82: {  	_ =	shalt  }
0x83: {  	_ =	shalt  }
0x84: {  	_ =	shalt  }
0x85: {  	_ =	shalt  }
0x86: {  	_ =	shalt  }
0x87: {  	_ =	shalt  }
.Lfunc_end0:
.L_simem_size_0:
called_computation.1_lowered:
.L_overlay_start_0:
0x88: {  	s2 =	sld [smem:$0x3FD9]  }
0x89: {  	s3 =	sld [smem:$0x3FFE];
	_ =	sdelay $0x1  }
0x8a: {  	s1 =	srdreg.scid  }
0x8b: {  	s0 =	sand.u32 $0x1, s1  }
0x8c: {  	s16 =	sshll.u32 s0, $0xA;
	s2 =	sadd.s32 s3, s2  }
0x8d: {  	s2 =	sadd.s32 s2, s16  }
0x8e: {  	[smem:$0x3FC2] =	sst s2  }
0x8f: {  	_ = 	snop  }
0x90: {  	(tm) =	ssettm $0x1  }
0x91: {  	s17 =	sld [smem:$0x3FFB];
	_ =	sdelay $0x3  }
0x92: {  	_ =	strace s17  }
0x93: {  	s2 =	sld [smem:$0x3FFC];
	_ =	sdelay $0x3  }
0x94: {  	_ =	strace s2  }
0x95: {  	s2 =	sld [smem:$0x3FFD];
	_ =	sdelay $0x3  }
0x96: {  	_ =	strace s2  }
0x97: {  	_ =	strace $0x8FFFFFFF  }
0x98: {  	s18 =	sld [smem:$0x3FDB];
	_ =	sdelay $0x1  }
0x99: {  	s19 =	simm.s32 $_scs_section_size  }
0x9a: {  	s4 =	simm.s32 $_size__tile_overlayer_lowered;
	s5 =	simm.s32 $_tile_overlayer_lowered  }
0x9b: {  	s22 =	simm.s32 $0x1BFF;
	s21 =	sshll.u32 s5, $0x1;
	s2 =	sadd.s32 s19, s18  }
0x9c: {  	s6 =	simm.s32 $0x0;
	s20 =	sshll.u32 s4, $0x1;
	s4 =	sadd.s32 s21, s2  }
0x9d: {  	[timem:s6], [sflag:s22] =	dma.local [hbm:s4], s20  }
0x9e: {  	_ =	swait.ge [sflag:s22], s20  }
0x9f: {  	s3 =	ssub.s32 $0x0, s20;
	[sflag:s22] =	ssyncset.done $0x0  }
0xa0: {  	[sflag:s22] =	ssyncadd.s32 s3;
	_ =	sdelay $0x1  }
0xa1: {  	s23 =	simm.s32 $0x1B8B  }
0xa2: {  	_ =	swait.ge [sflag:s23], $0x1  }
0xa3: {  	[sflag:s23] =	ssyncset.done $0x0  }
0xa4: {  	s25 =	simm.s32 $0x1B8E;
	s24 =	sld [smem:$0x3FFE];
	[sflag:s23] =	ssyncadd.s32 $0xFFFFFFFF  }
0xa5: {  	s26 =	simm.s32 $execute0_lowered;
	[smem:$0x3FD2] =	sst s25  }
0xa6: {  	s4 =	sshll.u32 s26, $0x1;
	_ =	strace $0x80000049;
	[dreg:$0x1] =	wrdreg $0xFFFFFFFF  }
0xa7: {  	s28 =	simm.s32 $_size_execute0_lowered;
	s2 =	sadd.s32 s2, s4;
	[dreg:$0x0] =	wrdreg $0x0  }
0xa8: {  	s4 =	sshll.u32 s28, $0x1;
	[dreg:$0x2] =	wrdreg s2  }
0xa9: {  	[dreg:$0x3] =	wrdreg s4  }
0xaa: {  	[dreg:$0x4] =	wrdreg $0xC0  }
0xab: {  	_ =	task [dreg:s6], $0x5FFFF  }
0xac: {  	[dreg:$0x1] =	wrdreg $0xFFFFFFFF  }
0xad: {  	[dreg:$0x0] =	wrdreg $0x60  }
0xae: {  	[dreg:$0x2] =	wrdreg s24  }
0xaf: {  	[dreg:$0x3] =	wrdreg $0xA0000  }
0xb0: {  	[dreg:$0x4] =	wrdreg $0x9  }
0xb1: {  	_ =	task.clear_ibuf [dreg:s6], $0x5FFFF;
	_ =	strace $0x90000049  }
0xb2: {  	s29 =	simm.s32 $0x9;
	_ =	strace $0x8000004B  }
0xb3: {  	_ =	swait.ge [sflag:s29], $0x1  }
0xb4: {  	[sflag:s29] =	ssyncadd.s32 $0xFFFFFFFF  }
0xb5: {  	_ =	strace $0x9000004B  }
0xb6: {  	_ =	sfence  }
0xb7: {  	s30 =	sld [smem:$0x0];
	_ =	sdelay $0x2  }
0xb8: {  	s31 =	sshll.u32 s1, $0xD;
	s1 =	sshrl.u32 s1, $0x2  }
0xb9: {  	s3 =	sand.u32 $0x4000, s31;
	s1 =	sadd.s32 s1, s30  }
0xba: {  	s0 =	sor.u32 s3, s0;
	s1 =	sshll.u32 s1, $0x11  }
0xbb: {  	s0 =	sor.u32 s1, s0  }
0xbc: {  	s0 =	sadd.s32 $0x8F2B, s0  }
0xbd: {  	[sflag:s0] =	ssyncadd.remote.s32 $0x1  }
0xbe: {  	_ =	sfence.sel $0xFFFF  }
0xbf: {  	[dreg:$0x0] =	wrdreg $0xFFFFFFFF;
	(pc) =	sbr.abs _section_cstart, $3  }
0xc0: {  	[dreg:$0x1] =	wrdreg $0xFFFFFFFF  }
0xc1: {  	_ =	task.clear_ibuf [dreg:s6], $0x2FFFF;
	_ =	strace $0x9FFFFFFF  }
0xc2: {  	(tm) =	ssettm $0x7FFFFFFF  }
0xc3: {  	_ =	shalt  }
tec
execute0_lowered:
.L_overlay_start_1:
0x0: {  	(tag) =	ssettag $0x1  }
0x1: {  	s0 =	srdreg.scid;
	s7 =	rddreg [dreg:$0x0]  }
0x2: {  	s2 =	rddreg [dreg:$0x1];
	s1 =	stileid.u32;
	s3 =	simm.s32 $0x0  }
0x3: {  	s17 =	simm.s32 $0x50;
	s18 =	simm.s32 $0x7800;
	s19 =	simm.s32 $0x1  }
0x4: {  	s20 =	simm.s32 $0x2;
	s6 =	sand.u32 $0x1, s0;
	s0 =	rddreg [dreg:$0x2]  }
0x5: {  	s21 =	simm.s32 $0x0;
	[smem:$0x7FF] =	sst s3;
	s10 =	smul.u32 $0x13800, s1  }
0x6: {  	s11 =	sadd.s32 $0x47200, s7;
	s13 =	smul.u32 $0x2700, s1;
	s30 =	sshll.u32 s1, $0x6  }
0x7: {  	s16 =	sadd.s32 $0x138000, s2;
	p0 =	sne.s32 s1, $0xF;
	s4 =	sshll.u32 s6, $0x4  }
0x8: {  	_ =	strace $0x8000004A;
	s8 =	ssub.s32 $0x2, s6;
	s29 =	smul.u32 $0x27100, s6  }
0x9: {  	s15 =	smul.u32 $0x138800, s6;
	s6 =	sor.u32 $0x1C03, s30;
	s4 =	sor.u32 s1, s4  }
0xa: {  	s26 =	sshrl.u32 s8, $0x1;
	s14 =	sadd.s32 s10, s2;
	s28 =	sshrl.u32 s10, $0x3  }
0xb: {  	s5 =	smul.u32 $0x500, s4;
	s4 =	sadd.s32 $0x20000, s7;
	s12 =	ssub.s32 s8, s26  }
0xc: {  	s10 =	sadd.s32 s13, s29;
	s31 =	sshrl.u32 s15, $0x3;
	s13 =	sshrl.u32 s14, $0x3  }
0xd: {  	s14 =	simm.s32 $0x3;
	s15 =	sshrl.u32 @!p0 s16, $0x3;
	s16 =	simm.s32 $0x5000  }
0xe: {  	s10 =	sadd.s32 s11, s10;
	s11 =	sadd.s32 s11, s31;
	s12 =	smax.u32 s12, $0x1  }
0xf: {  	s9 =	sadd.s32 s5, s7;
	s5 =	sadd.s32 s4, s28;
	s7 =	sadd.s32 $0x47000, s7  }
0x10: {  	s11 =	sadd.s32 $0x27000, s11;
	s8 =	sadd.s32 $0x16000, s9;
	s9 =	sadd.s32 $0xC000, s9  }
.LBB2_1:
0x11: {  	[spmem:s13], [sflag:s6] =	dma.local [hbm:s5], $0x2700  }
0x12: {  	_ =	swait.ge [sflag:s14], $0x2700  }
0x13: {  	[sflag:s14] =	ssyncset.done $0x0  }
0x14: {  	s22 =	simm.s32 @!p0 $0x3;
	[sflag:s14] =	ssyncadd.s32 $0xFFFFD900  }
0x15: {  	[spmem:s15], [sflag:s6] =	dma.local @!p0 [hbm:s7], $0x100  }
0x16: {  	_ =	swait.ge @!p0 [sflag:s22], $0x100  }
0x17: {  	[sflag:s22] =	ssyncset.done @!p0 $0x0  }
0x18: {  	[sflag:s22] =	ssyncadd.s32 @!p0 $0xFFFFFF00  }
0x19: {  	[tilespmem:s3], [sflag:$0x3] =	stream.linear.gather [hbm4b:s8+s3], $0x2800, $0x38;
	[tilespmem:$0x1D880] =	vst v63  }
0x1a: {  	_ =	swait.ge [sflag:s14], $0x2800  }
0x1b: {  	[sflag:s14] =	ssyncset.done $0x0  }
0x1c: {  	s22 =	simm.s32 $0x2800;
	[sflag:s14] =	ssyncadd.s32 $0xFFFFD800  }
0x1d: {  	[tilespmem:s22], [sflag:$0x3] =	stream.linear.gather [hbm4b:s9+s3], $0x2800, $0x38;
	[tilespmem:$0x1D880] =	vst v63  }
0x1e: {  	_ =	swait.ge [sflag:s14], $0x2800  }
0x1f: {  	[sflag:s14] =	ssyncset.done $0x0  }
0x20: {  	[sflag:s14] =	ssyncadd.s32 $0xFFFFD800  }
0x21: {  	[bflag:$0x0] =	sbarrier.arrive $0xFFFF  }
0x22: {  	[tilespmem:s16], [sflag:$0x1] =	stream.indirect.gather [hbm4b:s4+s17], $0x80, s3, s17, $0xb8;
	[tilespmem:$0x1D880] =	vst v63  }
0x23: {  	_ = 	snop  }
0x24: {  	[tilespmem:s18], [sflag:$0x2] =	stream.indirect.gather [hbm4b:s4+s17], $0x80, s17, s17, $0xb8;
	[tilespmem:$0x1D880] =	vst v63  }
0x25: {  	_ =	swait.ge [sflag:s19], $0x2800  }
0x26: {  	[sflag:s19] =	ssyncset.done $0x0  }
0x27: {  	s23 =	sand.u32 $0x7E, s20;
	[sflag:s19] =	ssyncadd.s32 $0xFFFFD800  }
0x28: {  	[spmem:s2] =	stream.indirect.scatter.add.f32 [tilespmem:s16], [sflag:$0x3], $0x80, s22, s17, $0xb8;
	[tilespmem:$0x1D880] =	vst v63  }
0x29: {  	s23 =	smul.u32 $0x140, s23;
	_ =	swait.ge [sflag:s14], $0x2800  }
0x2a: {  	[sflag:s14] =	ssyncset.done $0x0  }
0x2b: {  	s23 =	sshrl.u32 s23, $0x2;
	[sflag:s14] =	ssyncadd.s32 $0xFFFFD800  }
0x2c: {  	[tilespmem:s16], [sflag:$0x1] =	stream.indirect.gather [hbm4b:s4+s17], $0x80, s23, s17, $0xb8;
	[tilespmem:$0x1D880] =	vst v63  }
0x2d: {  	_ =	swait.ge [sflag:s20], $0x2800  }
0x2e: {  	[sflag:s20] =	ssyncset.done $0x0  }
0x2f: {  	s31 =	simm.s32 $0x2850;
	[sflag:s20] =	ssyncadd.s32 $0xFFFFD800  }
0x30: {  	[spmem:s2] =	stream.indirect.scatter.add.f32 [tilespmem:s18], [sflag:$0x3], $0x80, s31, s17, $0xb8;
	[tilespmem:$0x1D880] =	vst v63  }
0x31: {  	_ =	swait.ge [sflag:s14], $0x2800  }
0x32: {  	s24 =	simm.s32 $0x50;
	s23 =	simm.s32 $0x4;
	[sflag:s14] =	ssyncset.done $0x0  }
.LBB2_2:
0x33: {  	[sflag:s14] =	ssyncadd.s32 $0xFFFFD800  }
0x34: {  	s22 =	sadd.s32 $0xA0, s22;
	s24 =	sadd.s32 $0xA0, s24;
	s25 =	smov.u32 s23  }
0x35: {  	[tilespmem:s18], [sflag:$0x2] =	stream.indirect.gather [hbm4b:s4+s17], $0x80, s24, s17, $0xb8;
	[tilespmem:$0x1D880] =	vst v63  }
0x36: {  	p1 =	sne.s32 s23, $0x80;
	s23 =	sadd.s32 $0x2, s23;
	_ =	swait.ge [sflag:s19], $0x2800  }
0x37: {  	[sflag:s19] =	ssyncset.done $0x0  }
0x38: {  	s25 =	sand.u32 $0x7E, s25;
	[sflag:s19] =	ssyncadd.s32 $0xFFFFD800  }
0x39: {  	[spmem:s2] =	stream.indirect.scatter.add.f32 [tilespmem:s16], [sflag:$0x3], $0x80, s22, s17, $0xb8;
	[tilespmem:$0x1D880] =	vst v63  }
0x3a: {  	s25 =	smul.u32 $0x140, s25;
	_ =	swait.ge [sflag:s14], $0x2800  }
0x3b: {  	[sflag:s14] =	ssyncset.done $0x0  }
0x3c: {  	s25 =	sshrl.u32 s25, $0x2;
	[sflag:s14] =	ssyncadd.s32 $0xFFFFD800  }
0x3d: {  	[tilespmem:s16], [sflag:$0x1] =	stream.indirect.gather [hbm4b:s4+s17], $0x80, s25, s17, $0xb8;
	[tilespmem:$0x1D880] =	vst v63  }
0x3e: {  	_ =	swait.ge [sflag:s20], $0x2800  }
.Ltmp0:
0x3f: {  	[sflag:s20] =	ssyncset.done $0x0;
	(pc) =	sbr.rel @p1 .LBB2_2-.Ltmp0, $4  }
0x40: {  	s25 =	sadd.s32 $0x50, s22;
	[sflag:s20] =	ssyncadd.s32 $0xFFFFD800  }
0x41: {  	[spmem:s2] =	stream.indirect.scatter.add.f32 [tilespmem:s18], [sflag:$0x3], $0x80, s25, s17, $0xb8;
	[tilespmem:$0x1D880] =	vst v63  }
0x42: {  	_ =	swait.ge [sflag:s14], $0x2800  }
0x43: {  	[sflag:s14] =	ssyncset.done $0x0  }
0x44: {  	[sflag:s14] =	ssyncadd.s32 $0xFFFFD800  }
0x45: {  	_ =	swait.ge [sflag:s19], $0x2800  }
0x46: {  	[sflag:s19] =	ssyncset.done $0x0  }
0x47: {  	[sflag:s19] =	ssyncadd.s32 $0xFFFFD800  }
0x48: {  	[bflag:$0x0] =	sbarrier.arrive $0xFFFF  }
0x49: {  	[hbm:s10], [sflag:s6] =	dma.local [spmem:s13], $0x2700  }
0x4a: {  	s21 =	sadd.s32 $0x1, s21;
	_ =	swait.ge [sflag:s14], $0x2700  }
0x4b: {  	p1 =	sne.s32 s21, s12;
	[sflag:s14] =	ssyncset.done $0x0  }
.Ltmp1:
0x4c: {  	s22 =	simm.s32 @!p0 $0x3;
	[sflag:s14] =	ssyncadd.s32 $0xFFFFD900;
	(pc) =	sbr.rel @p1 .LBB2_1-.Ltmp1, $4  }
0x4d: {  	[hbm:s11], [sflag:s6] =	dma.local @!p0 [spmem:s15], $0x100  }
0x4e: {  	_ =	swait.ge @!p0 [sflag:s22], $0x100  }
0x4f: {  	[sflag:s22] =	ssyncset.done @!p0 $0x0  }
0x50: {  	[sflag:s22] =	ssyncadd.s32 @!p0 $0xFFFFFF00  }
0x51: {  	_ =	sfence.sel $0x180000  }
0x52: {  	[bflag:$0x0] =	sbarrier.arrive $0xFFFF  }
0x53: {  	p0 =	sne.s32 s1, $0x0;
	_ =	strace $0x9000004A  }
0x54: {  	s0 =	sadd.s32 @!p0 $0x100000, s0;
	[bflag:$0x2] =	sbarrier.arrive $0xFFFF  }
0x55: {  	[sflag:s0] =	ssyncadd.tile.s32 @!p0 $0x1;
	_ =	shalt  }
.Lfunc_end2:
_tile_overlayer_lowered:
.L_overlay_start_2:
0x56: {  	(tag) =	ssettag $0x2  }
0x57: {  	s0 =	rddreg [dreg:$0x0];
	s2 =	stileid.u32  }
0x58: {  	s1 =	rddreg [dreg:$0x1];
	p0 =	sne.s32 s2, $0x0  }
0x59: {  	s3 =	rddreg [dreg:$0x2];
	[bflag:$0x3] =	sbarrier.arrive $0xFFFF;
	s2 =	simm.s32 @!p0 $0x1C03  }
0x5a: {  	[timem:s3], [sflag:s2] =	dma.local @!p0 [hbm:s0], s1  }
0x5b: {  	s0 =	simm.s32 @!p0 $0x3  }
0x5c: {  	_ =	swait.ge @!p0 [sflag:s0], s1  }
0x5d: {  	s1 =	ssub.s32 @!p0 $0x0, s1;
	[sflag:s0] =	ssyncset.done @!p0 $0x0  }
0x5e: {  	[sflag:s0] =	ssyncadd.s32 @!p0 s1  }
0x5f: {  	[bflag:$0x3] =	sbarrier.arrive $0xFFFF  }
0x60: {  	_ =	shalt  }

// kernel: kernel.14.cloned.1.call-start
scs
__scs_entry_jumppad:
0x0: {  	(pc) =	sbr.rel $0x88, $3  }
0x1: {  	(tag) =	ssettag $0x0;
	lr =	simm.s32 $0x1  }
0x2: {  	[smem:$0x3F9B] =	sst lr;
	_ =	strace $0xD0000000  }
0x3: {  	_ = 	snop  }
0x4: {  	_ = 	snop  }
0x5: {  	_ = 	snop  }
0x6: {  	_ = 	snop  }
0x7: {  	_ = 	snop  }
__scs_overlays_trampoline_lowered:
0x8: {  	[smem:$0x3FAA] =	sst s0  }
0x9: {  	[smem:$0x3FAB] =	sst s1  }
0xa: {  	[smem:$0x3FAC] =	sst s2  }
0xb: {  	[smem:$0x3FAD] =	sst s3  }
0xc: {  	[smem:$0x3FAE] =	sst s4  }
0xd: {  	[smem:$0x3FAF] =	sst s5  }
0xe: {  	[smem:$0x3FB0] =	sst s6  }
0xf: {  	[smem:$0x3FB1] =	sst s7  }
0x10: {  	[smem:$0x3FB2] =	sst s8  }
0x11: {  	[smem:$0x3FB3] =	sst s9;
	s0 =	simm.s32 @!p0 $0x0  }
0x12: {  	s1 =	sld [smem:$0x3F99];
	s0 =	simm.s32 @p0 $0x1  }
0x13: {  	[smem:$0x3FB4] =	sst s0;
	s0 =	simm.s32 @!p1 $0x0  }
0x14: {  	s2 =	sld [smem:$0x3F98];
	s0 =	simm.s32 @p1 $0x1  }
0x15: {  	[smem:$0x3FB5] =	sst s0;
	s0 =	simm.s32 @!p2 $0x0  }
0x16: {  	s3 =	sld [smem:$0x3FDB];
	s0 =	simm.s32 @p2 $0x1  }
0x17: {  	s4 =	simm.s32 $0x1BF5;
	[smem:$0x3FB7] =	sst s0  }
0x18: {  	s0 =	sld [smem:$0x3F9A];
	_ =	swait.ge [sflag:s4], $0x0  }
0x19: {  	s7 =	sld [smem:$0x3F9B]  }
0x1a: {  	s8 =	sadd.s32 $0xFFFFE003, lr  }
0x1b: {  	s9 =	sadd.s32 $0xFFFFFEF7, lr;
	s5 =	simm.s32 $0xFFFFFFFF;
	p2 =	slt.u32 s8, $0xFFFFF086  }
0x1c: {  	p1 =	slt.u32 s9, $0xF7A;
	s5 =	simm.s32 @!p2 $0x0  }
0x1d: {  	s5 =	simm.s32 @p1 $0x1;
	p0 =	seq.s32 s7, s2  }
0x1e: {  	s7 =	smul.u32 @!p0 $0xF7A, s2;
	p2 =	seq.s32 @!p0 s5, $0x0  }
0x1f: {  	s9 =	smul.u32 $0xF7A, s1;
	s8 =	simm.s32 @!p0 $0x1BF5;
	p2 =	por !p2, p0  }
0x20: {  	[sflag:s8] =	ssyncset.s32 @!p0 $0xFFFFF086;
	s6 =	sadd.s32 @!p0 s3, s7;
	s7 =	simm.s32 @!p0 $0x108  }
0x21: {  	s3 =	sadd.s32 s3, s9;
	s6 =	sadd.s32 @!p0 $0x88, s6;
	s7 =	simm.s32 @p2 $0x1082  }
0x22: {  	[simem:s7], [sflag:s8] =	dma.local @!p0 [hbm:s6], $0xF7A  }
0x23: {  	s9 =	sor.u32 $0xD0000000, s2;
	s6 =	simm.s32 $0x108;
	_ =	swait.ge @!p0 [sflag:s8], $0x0  }
0x24: {  	s3 =	sadd.s32 $0x88, s3;
	s6 =	simm.s32 @!p1 $0x1082;
	[sflag:s4] =	ssyncset.s32 $0xFFFFF086  }
0x25: {  	[simem:s6], [sflag:s4] =	dma.local [hbm:s3], $0xF7A  }
0x26: {  	[smem:$0x3F9B] =	sst s1;
	(tag) =	ssettag s2;
	_ =	strace s9  }
0x27: {  	s1 =	sld [smem:$0x3FAB]  }
0x28: {  	s2 =	sld [smem:$0x3FAC]  }
0x29: {  	s4 =	sld [smem:$0x3FAE]  }
0x2a: {  	p0 =	seq.s32 s5, $0x0;
	s5 =	sld [smem:$0x3FAF]  }
0x2b: {  	s6 =	sld [smem:$0x3FB0]  }
0x2c: {  	s7 =	sld [smem:$0x3FB1]  }
0x2d: {  	s3 =	simm.s32 $0x108;
	s8 =	sld [smem:$0x3FB2]  }
0x2e: {  	s3 =	simm.s32 @!p0 $0x1082;
	s9 =	sld [smem:$0x3FB3]  }
0x2f: {  	lr =	sadd.s32 s0, s3;
	s0 =	sld [smem:$0x3FAA]  }
0x30: {  	s3 =	sld [smem:$0x3FAD]  }
0x31: {  	[smem:$0x3FB6] =	sst s10  }
0x32: {  	s10 =	sld [smem:$0x3FB4];
	_ =	sdelay $0x3  }
0x33: {  	p0 =	seq.s32 s10, $0x1;
	s10 =	sld [smem:$0x3FB6];
	_ =	sdelay $0x3  }
0x34: {  	[smem:$0x3FB6] =	sst s10  }
0x35: {  	s10 =	sld [smem:$0x3FB5];
	_ =	sdelay $0x3  }
0x36: {  	p1 =	seq.s32 s10, $0x1;
	s10 =	sld [smem:$0x3FB6];
	_ =	sdelay $0x3  }
0x37: {  	[smem:$0x3FB6] =	sst s10  }
0x38: {  	s10 =	sld [smem:$0x3FB7]  }
0x39: {  	_ = 	snop;
	(pc) =	sbr.ind lr, $3  }
0x3a: {  	_ = 	snop  }
0x3b: {  	_ = 	snop  }
0x3c: {  	p2 =	seq.s32 s10, $0x1;
	s10 =	sld [smem:$0x3FB6]  }
0x3d: {  	_ =	shalt  }
0x3e: {  	_ =	shalt  }
0x3f: {  	_ =	shalt  }
0x40: {  	_ =	shalt  }
0x41: {  	_ =	shalt  }
0x42: {  	_ =	shalt  }
0x43: {  	_ =	shalt  }
0x44: {  	_ =	shalt  }
0x45: {  	_ =	shalt  }
0x46: {  	_ =	shalt  }
0x47: {  	_ =	shalt  }
0x48: {  	_ =	shalt  }
0x49: {  	_ =	shalt  }
0x4a: {  	_ =	shalt  }
0x4b: {  	_ =	shalt  }
0x4c: {  	_ =	shalt  }
0x4d: {  	_ =	shalt  }
0x4e: {  	_ =	shalt  }
0x4f: {  	_ =	shalt  }
0x50: {  	_ =	shalt  }
0x51: {  	_ =	shalt  }
0x52: {  	_ =	shalt  }
0x53: {  	_ =	shalt  }
0x54: {  	_ =	shalt  }
0x55: {  	_ =	shalt  }
0x56: {  	_ =	shalt  }
0x57: {  	_ =	shalt  }
0x58: {  	_ =	shalt  }
0x59: {  	_ =	shalt  }
0x5a: {  	_ =	shalt  }
0x5b: {  	_ =	shalt  }
0x5c: {  	_ =	shalt  }
0x5d: {  	_ =	shalt  }
0x5e: {  	_ =	shalt  }
0x5f: {  	_ =	shalt  }
0x60: {  	_ =	shalt  }
0x61: {  	_ =	shalt  }
0x62: {  	_ =	shalt  }
0x63: {  	_ =	shalt  }
0x64: {  	_ =	shalt  }
0x65: {  	_ =	shalt  }
0x66: {  	_ =	shalt  }
0x67: {  	_ =	shalt  }
0x68: {  	_ =	shalt  }
0x69: {  	_ =	shalt  }
0x6a: {  	_ =	shalt  }
0x6b: {  	_ =	shalt  }
0x6c: {  	_ =	shalt  }
0x6d: {  	_ =	shalt  }
0x6e: {  	_ =	shalt  }
0x6f: {  	_ =	shalt  }
0x70: {  	_ =	shalt  }
0x71: {  	_ =	shalt  }
0x72: {  	_ =	shalt  }
0x73: {  	_ =	shalt  }
0x74: {  	_ =	shalt  }
0x75: {  	_ =	shalt  }
0x76: {  	_ =	shalt  }
0x77: {  	_ =	shalt  }
0x78: {  	_ =	shalt  }
0x79: {  	_ =	shalt  }
0x7a: {  	_ =	shalt  }
0x7b: {  	_ =	shalt  }
0x7c: {  	_ =	shalt  }
0x7d: {  	_ =	shalt  }
0x7e: {  	_ =	shalt  }
0x7f: {  	_ =	shalt  }
0x80: {  	_ =	shalt  }
0x81: {  	_ =	shalt  }
0x82: {  	_ =	shalt  }
0x83: {  	_ =	shalt  }
0x84: {  	_ =	shalt  }
0x85: {  	_ =	shalt  }
0x86: {  	_ =	shalt  }
0x87: {  	_ =	shalt  }
.Lfunc_end0:
.L_simem_size_0:
called_computation.2_lowered:
.L_overlay_start_0:
0x88: {  	s2 =	sld [smem:$0x3FD9]  }
0x89: {  	s3 =	sld [smem:$0x3FFE];
	_ =	sdelay $0x1  }
0x8a: {  	s1 =	srdreg.scid  }
0x8b: {  	s0 =	sand.u32 $0x1, s1  }
0x8c: {  	s17 =	sshll.u32 s0, $0xA;
	s2 =	sadd.s32 s3, s2  }
0x8d: {  	s2 =	sadd.s32 s2, s17  }
0x8e: {  	[smem:$0x3FC2] =	sst s2  }
0x8f: {  	_ = 	snop  }
0x90: {  	s2 =	sld [smem:$0x3FD0];
	(tm) =	ssettm $0x1  }
0x91: {  	s18 =	sld [smem:$0x3FFB];
	_ =	sdelay $0x3  }
0x92: {  	_ =	strace s18  }
0x93: {  	s3 =	sld [smem:$0x3FFC];
	_ =	sdelay $0x3  }
0x94: {  	_ =	strace s3  }
0x95: {  	s3 =	sld [smem:$0x3FFD];
	_ =	sdelay $0x3  }
0x96: {  	_ =	strace s3  }
0x97: {  	_ =	strace $0x8FFFFFFF  }
0x98: {  	s19 =	sld [smem:$0x3FDB];
	_ =	sdelay $0x1  }
0x99: {  	s4 =	simm.s32 $_scs_section_size  }
0x9a: {  	s5 =	simm.s32 $_size__tile_overlayer_lowered;
	s6 =	simm.s32 $_tile_overlayer_lowered  }
0x9b: {  	s22 =	simm.s32 $0x1BFF;
	s21 =	sshll.u32 s6, $0x1;
	s3 =	sadd.s32 s4, s19  }
0x9c: {  	s7 =	simm.s32 $0x0;
	s20 =	sshll.u32 s5, $0x1;
	s5 =	sadd.s32 s21, s3  }
0x9d: {  	[timem:s7], [sflag:s22] =	dma.local [hbm:s5], s20  }
0x9e: {  	_ =	swait.ge [sflag:s22], s20  }
0x9f: {  	s4 =	ssub.s32 $0x0, s20;
	[sflag:s22] =	ssyncset.done $0x0  }
0xa0: {  	[sflag:s22] =	ssyncadd.s32 s4;
	_ =	sdelay $0x1  }
0xa1: {  	s23 =	simm.s32 $0x1B8B  }
0xa2: {  	_ =	swait.ge [sflag:s23], $0x1  }
0xa3: {  	[sflag:s23] =	ssyncset.done $0x0  }
0xa4: {  	s25 =	simm.s32 $0x1B8E;
	s24 =	sld [smem:$0x3FFE];
	[sflag:s23] =	ssyncadd.s32 $0xFFFFFFFF  }
0xa5: {  	s26 =	simm.s32 $execute0_lowered;
	[smem:$0x3FD2] =	sst s25  }
0xa6: {  	s5 =	sshll.u32 s26, $0x1;
	_ =	strace $0x8000004C;
	[dreg:$0x1] =	wrdreg $0xFFFFFFFF  }
0xa7: {  	s28 =	simm.s32 $_size_execute0_lowered;
	s3 =	sadd.s32 s3, s5;
	[dreg:$0x0] =	wrdreg $0x0  }
0xa8: {  	s5 =	sshll.u32 s28, $0x1;
	[dreg:$0x2] =	wrdreg s3  }
0xa9: {  	[dreg:$0x3] =	wrdreg s5  }
0xaa: {  	[dreg:$0x4] =	wrdreg $0xC0  }
0xab: {  	_ =	task [dreg:s7], $0x5FFFF  }
0xac: {  	[dreg:$0x1] =	wrdreg $0xFFFFFFFF  }
0xad: {  	[dreg:$0x0] =	wrdreg $0x60  }
0xae: {  	[dreg:$0x2] =	wrdreg s2  }
0xaf: {  	[dreg:$0x3] =	wrdreg s24  }
0xb0: {  	[dreg:$0x4] =	wrdreg $0x78000  }
0xb1: {  	[dreg:$0x5] =	wrdreg $0x9  }
0xb2: {  	_ =	task.clear_ibuf [dreg:s7], $0x6FFFF;
	_ =	strace $0x9000004C  }
0xb3: {  	s29 =	simm.s32 $0x9;
	_ =	strace $0x8000004E  }
0xb4: {  	_ =	swait.ge [sflag:s29], $0x1  }
0xb5: {  	[sflag:s29] =	ssyncadd.s32 $0xFFFFFFFF  }
0xb6: {  	_ =	strace $0x9000004E  }
0xb7: {  	_ =	sfence  }
0xb8: {  	s30 =	sld [smem:$0x0];
	_ =	sdelay $0x2  }
0xb9: {  	s31 =	sshll.u32 s1, $0xD;
	s1 =	sshrl.u32 s1, $0x2  }
0xba: {  	s3 =	sand.u32 $0x4000, s31;
	s1 =	sadd.s32 s1, s30  }
0xbb: {  	s0 =	sor.u32 s3, s0;
	s1 =	sshll.u32 s1, $0x11  }
0xbc: {  	s0 =	sor.u32 s1, s0  }
0xbd: {  	s0 =	sadd.s32 $0x8F2B, s0  }
0xbe: {  	[sflag:s0] =	ssyncadd.remote.s32 $0x1  }
0xbf: {  	_ =	sfence.sel $0xFFFF  }
0xc0: {  	[dreg:$0x0] =	wrdreg $0xFFFFFFFF;
	(pc) =	sbr.abs _section_cstart, $3  }
0xc1: {  	[dreg:$0x1] =	wrdreg $0xFFFFFFFF  }
0xc2: {  	_ =	task.clear_ibuf [dreg:s7], $0x2FFFF;
	_ =	strace $0x9FFFFFFF  }
0xc3: {  	(tm) =	ssettm $0x7FFFFFFF  }
tec
execute0_lowered:
.L_overlay_start_1:
0x0: {  	(tag) =	ssettag $0x1  }
0x1: {  	s0 =	rddreg [dreg:$0x0]  }
0x2: {  	s1 =	srdreg.scid;
	s5 =	rddreg [dreg:$0x1]  }
0x3: {  	s3 =	rddreg [dreg:$0x2];
	s2 =	stileid.u32;
	s4 =	simm.s32 $0x0  }
0x4: {  	s17 =	simm.s32 $0x80;
	s18 =	simm.s32 $0x5000;
	s19 =	simm.s32 $0x6400  }
0x5: {  	s20 =	simm.s32 $0x1;
	s21 =	simm.s32 $0x2;
	s22 =	simm.s32 $0x2780  }
0x6: {  	s23 =	simm.s32 $0x4F00;
	s24 =	simm.s32 $0x4F80;
	s25 =	simm.s32 $0x0  }
0x7: {  	s7 =	sand.u32 $0x1, s1;
	s1 =	rddreg [dreg:$0x3];
	s9 =	smul.u32 $0x6180, s2  }
0x8: {  	[smem:$0x7FF] =	sst s4;
	s11 =	sadd.s32 $0x47200, s5;
	s13 =	smul.u32 $0xC30, s2  }
0x9: {  	s29 =	sshll.u32 s2, $0x6;
	s15 =	sadd.s32 $0x61800, s3;
	p0 =	sne.s32 s2, $0xF  }
0xa: {  	s6 =	sshll.u32 s7, $0x4;
	_ =	strace $0x8000004D;
	s30 =	smul.u32 $0x61A80, s7  }
0xb: {  	s8 =	ssub.s32 $0x2, s7;
	s31 =	smul.u32 $0xC350, s7;
	s7 =	sadd.s32 $0xC300, s0  }
0xc: {  	s15 =	sshrl.u32 @!p0 s15, $0x3;
	s6 =	sor.u32 s2, s6;
	s26 =	sshrl.u32 s8, $0x1  }
0xd: {  	s14 =	sadd.s32 s9, s3;
	s28 =	sshrl.u32 s9, $0x3;
	s6 =	smul.u32 $0x500, s6  }
0xe: {  	s12 =	ssub.s32 s8, s26;
	s16 =	sshrl.u32 s30, $0x3;
	s13 =	sadd.s32 s13, s31  }
0xf: {  	s16 =	sadd.s32 s11, s16;
	s12 =	smax.u32 s12, $0x1;
	s10 =	sadd.s32 s6, s5  }
0x10: {  	s5 =	sadd.s32 s0, s28;
	s6 =	sor.u32 $0x1C03, s29;
	s8 =	sadd.s32 $0x16000, s10  }
0x11: {  	s9 =	sadd.s32 $0xC000, s10;
	s10 =	sadd.s32 s11, s13;
	s11 =	sadd.s32 $0xC300, s16  }
0x12: {  	s13 =	sshrl.u32 s14, $0x3;
	s14 =	simm.s32 $0x3;
	s16 =	simm.s32 $0x2800  }
.LBB2_1:
0x13: {  	[spmem:s13], [sflag:s6] =	dma.local [hbm:s5], $0xC30  }
0x14: {  	_ =	swait.ge [sflag:s14], $0xC30  }
0x15: {  	[sflag:s14] =	ssyncset.done $0x0  }
0x16: {  	s26 =	simm.s32 @!p0 $0x3;
	[sflag:s14] =	ssyncadd.s32 $0xFFFFF3D0  }
0x17: {  	[spmem:s15], [sflag:s6] =	dma.local @!p0 [hbm:s7], $0x50  }
0x18: {  	_ =	swait.ge @!p0 [sflag:s26], $0x50  }
0x19: {  	[sflag:s26] =	ssyncset.done @!p0 $0x0  }
0x1a: {  	[sflag:s26] =	ssyncadd.s32 @!p0 $0xFFFFFFB0  }
0x1b: {  	[tilespmem:s4], [sflag:$0x3] =	stream.linear.gather [hbm4b:s8+s4], $0x2800, $0x38;
	[tilespmem:$0xD9A8] =	vst v63  }
0x1c: {  	_ =	swait.ge [sflag:s14], $0x2800  }
0x1d: {  	[sflag:s14] =	ssyncset.done $0x0  }
0x1e: {  	[sflag:s14] =	ssyncadd.s32 $0xFFFFD800  }
0x1f: {  	[tilespmem:s16], [sflag:$0x3] =	stream.linear.gather [hbm4b:s9+s4], $0x2800, $0x38;
	[tilespmem:$0xD9A8] =	vst v63  }
0x20: {  	_ =	swait.ge [sflag:s14], $0x2800  }
0x21: {  	[sflag:s14] =	ssyncset.done $0x0  }
0x22: {  	[sflag:s14] =	ssyncadd.s32 $0xFFFFD800  }
0x23: {  	[bflag:$0x0] =	sbarrier.arrive $0xFFFF  }
0x24: {  	[tilespmem:s18], [sflag:$0x1] =	stream.indirect.gather [hbm4b:s0+s17], $0x28, s4, s17, $0xb8;
	[tilespmem:$0xD9A8] =	vst v63  }
0x25: {  	s31 =	simm.s32 $0x80  }
0x26: {  	[tilespmem:s19], [sflag:$0x2] =	stream.indirect.gather [hbm4b:s0+s17], $0x28, s31, s17, $0xb8;
	[tilespmem:$0xD9A8] =	vst v63  }
0x27: {  	_ =	swait.ge [sflag:s20], $0x1400  }
0x28: {  	[sflag:s20] =	ssyncset.done $0x0  }
0x29: {  	s29 =	simm.s32 $0x2800;
	[sflag:s20] =	ssyncadd.s32 $0xFFFFEC00  }
0x2a: {  	[spmem:s3] =	stream.indirect.scatter.add.f32 [tilespmem:s18], [sflag:$0x3], $0x28, s29, s17, $0xb8;
	[tilespmem:$0xD9A8] =	vst v63  }
0x2b: {  	_ =	swait.ge [sflag:s14], $0x1400  }
0x2c: {  	[sflag:s14] =	ssyncset.done $0x0  }
0x2d: {  	s30 =	simm.s32 $0x100;
	[sflag:s14] =	ssyncadd.s32 $0xFFFFEC00  }
0x2e: {  	[tilespmem:s18], [sflag:$0x1] =	stream.indirect.gather [hbm4b:s0+s17], $0x28, s30, s17, $0xb8;
	[tilespmem:$0xD9A8] =	vst v63  }
0x2f: {  	_ =	swait.ge [sflag:s21], $0x1400  }
0x30: {  	[sflag:s21] =	ssyncset.done $0x0  }
0x31: {  	s31 =	simm.s32 $0x2880;
	[sflag:s21] =	ssyncadd.s32 $0xFFFFEC00  }
0x32: {  	[spmem:s3] =	stream.indirect.scatter.add.f32 [tilespmem:s19], [sflag:$0x3], $0x28, s31, s17, $0xb8;
	[tilespmem:$0xD9A8] =	vst v63  }
0x33: {  	_ =	swait.ge [sflag:s14], $0x1400  }
0x34: {  	s28 =	simm.s32 $0x800;
	s26 =	simm.s32 $0x100;
	[sflag:s14] =	ssyncset.done $0x0  }
.LBB2_2:
0x35: {  	s29 =	sadd.s32 $0x80, s26  }
0x36: {  	[sflag:s14] =	ssyncadd.s32 $0xFFFFEC00;
	s30 =	smov.u32 s28;
	s31 =	sadd.s32 $0x400, s28  }
0x37: {  	[tilespmem:s19], [sflag:$0x2] =	stream.indirect.gather [hbm4b:s0+s17], $0x28, s29, s17, $0xb8;
	[tilespmem:$0xD9A8] =	vst v63  }
0x38: {  	p1 =	sne.s32 s28, $0x9800;
	_ =	swait.ge [sflag:s20], $0x1400  }
0x39: {  	[sflag:s20] =	ssyncset.done $0x0  }
0x3a: {  	s28 =	sadd.s32 $0x2800, s26;
	[sflag:s20] =	ssyncadd.s32 $0xFFFFEC00  }
0x3b: {  	[spmem:s3] =	stream.indirect.scatter.add.f32 [tilespmem:s18], [sflag:$0x3], $0x28, s28, s17, $0xb8;
	[tilespmem:$0xD9A8] =	vst v63  }
0x3c: {  	_ =	swait.ge [sflag:s14], $0x1400  }
0x3d: {  	[sflag:s14] =	ssyncset.done $0x0  }
0x3e: {  	s28 =	sadd.s32 $0x100, s26;
	[sflag:s14] =	ssyncadd.s32 $0xFFFFEC00  }
0x3f: {  	[tilespmem:s18], [sflag:$0x1] =	stream.indirect.gather [hbm4b:s0+s17], $0x28, s28, s17, $0xb8;
	[tilespmem:$0xD9A8] =	vst v63  }
0x40: {  	_ =	swait.ge [sflag:s21], $0x1400  }
.Ltmp0:
0x41: {  	[sflag:s21] =	ssyncset.done $0x0;
	(pc) =	sbr.rel @p1 .LBB2_2-.Ltmp0, $4  }
0x42: {  	s26 =	sadd.s32 $0x2880, s26;
	[sflag:s21] =	ssyncadd.s32 $0xFFFFEC00  }
0x43: {  	[spmem:s3] =	stream.indirect.scatter.add.f32 [tilespmem:s19], [sflag:$0x3], $0x28, s26, s17, $0xb8;
	[tilespmem:$0xD9A8] =	vst v63  }
0x44: {  	_ =	swait.ge [sflag:s14], $0x1400  }
0x45: {  	s28 =	smov.u32 s31;
	s26 =	sshra.s32 s30, $0x2;
	[sflag:s14] =	ssyncset.done $0x0  }
0x46: {  	s28 =	sadd.s32 $0x80, s26;
	[sflag:s14] =	ssyncadd.s32 $0xFFFFEC00  }
0x47: {  	[tilespmem:s19], [sflag:$0x2] =	stream.indirect.gather [hbm4b:s0+s17], $0x28, s28, s17, $0xb8;
	[tilespmem:$0xD9A8] =	vst v63  }
0x48: {  	_ =	swait.ge [sflag:s20], $0x1400  }
0x49: {  	[sflag:s20] =	ssyncset.done $0x0  }
0x4a: {  	s29 =	sadd.s32 $0x2800, s26;
	[sflag:s20] =	ssyncadd.s32 $0xFFFFEC00  }
0x4b: {  	[spmem:s3] =	stream.indirect.scatter.add.f32 [tilespmem:s18], [sflag:$0x3], $0x28, s29, s17, $0xb8;
	[tilespmem:$0xD9A8] =	vst v63  }
0x4c: {  	_ =	swait.ge [sflag:s14], $0x1400  }
0x4d: {  	[sflag:s14] =	ssyncset.done $0x0  }
0x4e: {  	s30 =	sadd.s32 $0x100, s26;
	[sflag:s14] =	ssyncadd.s32 $0xFFFFEC00  }
0x4f: {  	[tilespmem:s18], [sflag:$0x1] =	stream.indirect.gather [hbm4b:s0+s17], $0x28, s30, s17, $0xb8;
	[tilespmem:$0xD9A8] =	vst v63  }
0x50: {  	_ =	swait.ge [sflag:s21], $0x1400  }
0x51: {  	[sflag:s21] =	ssyncset.done $0x0  }
0x52: {  	s31 =	sadd.s32 $0x2880, s26;
	[sflag:s21] =	ssyncadd.s32 $0xFFFFEC00  }
0x53: {  	[spmem:s3] =	stream.indirect.scatter.add.f32 [tilespmem:s19], [sflag:$0x3], $0x28, s31, s17, $0xb8;
	[tilespmem:$0xD9A8] =	vst v63  }
0x54: {  	_ =	swait.ge [sflag:s14], $0x1400  }
0x55: {  	[sflag:s14] =	ssyncset.done $0x0  }
0x56: {  	[sflag:s14] =	ssyncadd.s32 $0xFFFFEC00  }
0x57: {  	[tilespmem:s19], [sflag:$0x2] =	stream.indirect.gather [hbm4b:s0+s17], $0x28, s22, s17, $0xb8;
	[tilespmem:$0xD9A8] =	vst v63  }
0x58: {  	_ =	swait.ge [sflag:s20], $0x1400  }
0x59: {  	[sflag:s20] =	ssyncset.done $0x0  }
0x5a: {  	[sflag:s20] =	ssyncadd.s32 $0xFFFFEC00  }
0x5b: {  	[spmem:s3] =	stream.indirect.scatter.add.f32 [tilespmem:s18], [sflag:$0x3], $0x28, s23, s17, $0xb8;
	[tilespmem:$0xD9A8] =	vst v63  }
0x5c: {  	_ =	swait.ge [sflag:s14], $0x1400  }
0x5d: {  	[sflag:s14] =	ssyncset.done $0x0  }
0x5e: {  	[sflag:s14] =	ssyncadd.s32 $0xFFFFEC00  }
0x5f: {  	[tilespmem:s18], [sflag:$0x1] =	stream.indirect.gather [hbm4b:s0+s17], $0x28, s4, s17, $0xb8;
	[tilespmem:$0xD9A8] =	vst v63  }
0x60: {  	_ =	swait.ge [sflag:s21], $0x1400  }
0x61: {  	[sflag:s21] =	ssyncset.done $0x0  }
0x62: {  	[sflag:s21] =	ssyncadd.s32 $0xFFFFEC00  }
0x63: {  	[spmem:s3] =	stream.indirect.scatter.add.f32 [tilespmem:s19], [sflag:$0x3], $0x28, s24, s17, $0xb8;
	[tilespmem:$0xD9A8] =	vst v63  }
0x64: {  	_ =	swait.ge [sflag:s14], $0x1400  }
0x65: {  	[sflag:s14] =	ssyncset.done $0x0  }
0x66: {  	[sflag:s14] =	ssyncadd.s32 $0xFFFFEC00  }
0x67: {  	_ =	swait.ge [sflag:s20], $0x1400  }
0x68: {  	[sflag:s20] =	ssyncset.done $0x0  }
0x69: {  	[sflag:s20] =	ssyncadd.s32 $0xFFFFEC00  }
0x6a: {  	[bflag:$0x0] =	sbarrier.arrive $0xFFFF  }
0x6b: {  	[hbm:s10], [sflag:s6] =	dma.local [spmem:s13], $0xC30  }
0x6c: {  	s25 =	sadd.s32 $0x1, s25;
	_ =	swait.ge [sflag:s14], $0xC30  }
0x6d: {  	p1 =	sne.s32 s25, s12;
	[sflag:s14] =	ssyncset.done $0x0  }
.Ltmp1:
0x6e: {  	s26 =	simm.s32 @!p0 $0x3;
	[sflag:s14] =	ssyncadd.s32 $0xFFFFF3D0;
	(pc) =	sbr.rel @p1 .LBB2_1-.Ltmp1, $4  }
0x6f: {  	[hbm:s11], [sflag:s6] =	dma.local @!p0 [spmem:s15], $0x50  }
0x70: {  	_ =	swait.ge @!p0 [sflag:s26], $0x50  }
0x71: {  	[sflag:s26] =	ssyncset.done @!p0 $0x0  }
0x72: {  	[sflag:s26] =	ssyncadd.s32 @!p0 $0xFFFFFFB0  }
0x73: {  	_ =	sfence.sel $0x180000  }
0x74: {  	[bflag:$0x0] =	sbarrier.arrive $0xFFFF  }
0x75: {  	p0 =	sne.s32 s2, $0x0;
	_ =	strace $0x9000004D  }
0x76: {  	s0 =	sadd.s32 @!p0 $0x100000, s1;
	[bflag:$0x2] =	sbarrier.arrive $0xFFFF  }
0x77: {  	[sflag:s0] =	ssyncadd.tile.s32 @!p0 $0x1;
	_ =	shalt  }
.Lfunc_end2:
_tile_overlayer_lowered:
.L_overlay_start_2:
0x78: {  	(tag) =	ssettag $0x2  }
0x79: {  	s0 =	rddreg [dreg:$0x0];
	s2 =	stileid.u32  }
0x7a: {  	s1 =	rddreg [dreg:$0x1];
	p0 =	sne.s32 s2, $0x0  }
0x7b: {  	s3 =	rddreg [dreg:$0x2];
	[bflag:$0x3] =	sbarrier.arrive $0xFFFF;
	s2 =	simm.s32 @!p0 $0x1C03  }
0x7c: {  	[timem:s3], [sflag:s2] =	dma.local @!p0 [hbm:s0], s1  }
0x7d: {  	s0 =	simm.s32 @!p0 $0x3  }
0x7e: {  	_ =	swait.ge @!p0 [sflag:s0], s1  }
0x7f: {  	s1 =	ssub.s32 @!p0 $0x0, s1;
	[sflag:s0] =	ssyncset.done @!p0 $0x0  }
0x80: {  	[sflag:s0] =	ssyncadd.s32 @!p0 s1  }
0x81: {  	[bflag:$0x3] =	sbarrier.arrive $0xFFFF  }
0x82: {  	_ =	shalt  }

// kernel: kernel.8.cloned.1.call-start
scs
__scs_entry_jumppad:
0x0: {  	(pc) =	sbr.rel $0x88, $3  }
0x1: {  	(tag) =	ssettag $0x0;
	lr =	simm.s32 $0x1  }
0x2: {  	[smem:$0x3F9B] =	sst lr;
	_ =	strace $0xD0000000  }
0x3: {  	_ = 	snop  }
0x4: {  	_ = 	snop  }
0x5: {  	_ = 	snop  }
0x6: {  	_ = 	snop  }
0x7: {  	_ = 	snop  }
__scs_overlays_trampoline_lowered:
0x8: {  	[smem:$0x3FAA] =	sst s0  }
0x9: {  	[smem:$0x3FAB] =	sst s1  }
0xa: {  	[smem:$0x3FAC] =	sst s2  }
0xb: {  	[smem:$0x3FAD] =	sst s3  }
0xc: {  	[smem:$0x3FAE] =	sst s4  }
0xd: {  	[smem:$0x3FAF] =	sst s5  }
0xe: {  	[smem:$0x3FB0] =	sst s6  }
0xf: {  	[smem:$0x3FB1] =	sst s7  }
0x10: {  	[smem:$0x3FB2] =	sst s8  }
0x11: {  	[smem:$0x3FB3] =	sst s9;
	s0 =	simm.s32 @!p0 $0x0  }
0x12: {  	s1 =	sld [smem:$0x3F99];
	s0 =	simm.s32 @p0 $0x1  }
0x13: {  	[smem:$0x3FB4] =	sst s0;
	s0 =	simm.s32 @!p1 $0x0  }
0x14: {  	s2 =	sld [smem:$0x3F98];
	s0 =	simm.s32 @p1 $0x1  }
0x15: {  	[smem:$0x3FB5] =	sst s0;
	s0 =	simm.s32 @!p2 $0x0  }
0x16: {  	s3 =	sld [smem:$0x3FDB];
	s0 =	simm.s32 @p2 $0x1  }
0x17: {  	s4 =	simm.s32 $0x1BF5;
	[smem:$0x3FB7] =	sst s0  }
0x18: {  	s0 =	sld [smem:$0x3F9A];
	_ =	swait.ge [sflag:s4], $0x0  }
0x19: {  	s7 =	sld [smem:$0x3F9B]  }
0x1a: {  	s8 =	sadd.s32 $0xFFFFE003, lr  }
0x1b: {  	s9 =	sadd.s32 $0xFFFFFEF7, lr;
	s5 =	simm.s32 $0xFFFFFFFF;
	p2 =	slt.u32 s8, $0xFFFFF086  }
0x1c: {  	p1 =	slt.u32 s9, $0xF7A;
	s5 =	simm.s32 @!p2 $0x0  }
0x1d: {  	s5 =	simm.s32 @p1 $0x1;
	p0 =	seq.s32 s7, s2  }
0x1e: {  	s7 =	smul.u32 @!p0 $0xF7A, s2;
	p2 =	seq.s32 @!p0 s5, $0x0  }
0x1f: {  	s9 =	smul.u32 $0xF7A, s1;
	s8 =	simm.s32 @!p0 $0x1BF5;
	p2 =	por !p2, p0  }
0x20: {  	[sflag:s8] =	ssyncset.s32 @!p0 $0xFFFFF086;
	s6 =	sadd.s32 @!p0 s3, s7;
	s7 =	simm.s32 @!p0 $0x108  }
0x21: {  	s3 =	sadd.s32 s3, s9;
	s6 =	sadd.s32 @!p0 $0x88, s6;
	s7 =	simm.s32 @p2 $0x1082  }
0x22: {  	[simem:s7], [sflag:s8] =	dma.local @!p0 [hbm:s6], $0xF7A  }
0x23: {  	s9 =	sor.u32 $0xD0000000, s2;
	s6 =	simm.s32 $0x108;
	_ =	swait.ge @!p0 [sflag:s8], $0x0  }
0x24: {  	s3 =	sadd.s32 $0x88, s3;
	s6 =	simm.s32 @!p1 $0x1082;
	[sflag:s4] =	ssyncset.s32 $0xFFFFF086  }
0x25: {  	[simem:s6], [sflag:s4] =	dma.local [hbm:s3], $0xF7A  }
0x26: {  	[smem:$0x3F9B] =	sst s1;
	(tag) =	ssettag s2;
	_ =	strace s9  }
0x27: {  	s1 =	sld [smem:$0x3FAB]  }
0x28: {  	s2 =	sld [smem:$0x3FAC]  }
0x29: {  	s4 =	sld [smem:$0x3FAE]  }
0x2a: {  	p0 =	seq.s32 s5, $0x0;
	s5 =	sld [smem:$0x3FAF]  }
0x2b: {  	s6 =	sld [smem:$0x3FB0]  }
0x2c: {  	s7 =	sld [smem:$0x3FB1]  }
0x2d: {  	s3 =	simm.s32 $0x108;
	s8 =	sld [smem:$0x3FB2]  }
0x2e: {  	s3 =	simm.s32 @!p0 $0x1082;
	s9 =	sld [smem:$0x3FB3]  }
0x2f: {  	lr =	sadd.s32 s0, s3;
	s0 =	sld [smem:$0x3FAA]  }
0x30: {  	s3 =	sld [smem:$0x3FAD]  }
0x31: {  	[smem:$0x3FB6] =	sst s10  }
0x32: {  	s10 =	sld [smem:$0x3FB4];
	_ =	sdelay $0x3  }
0x33: {  	p0 =	seq.s32 s10, $0x1;
	s10 =	sld [smem:$0x3FB6];
	_ =	sdelay $0x3  }
0x34: {  	[smem:$0x3FB6] =	sst s10  }
0x35: {  	s10 =	sld [smem:$0x3FB5];
	_ =	sdelay $0x3  }
0x36: {  	p1 =	seq.s32 s10, $0x1;
	s10 =	sld [smem:$0x3FB6];
	_ =	sdelay $0x3  }
0x37: {  	[smem:$0x3FB6] =	sst s10  }
0x38: {  	s10 =	sld [smem:$0x3FB7]  }
0x39: {  	_ = 	snop;
	(pc) =	sbr.ind lr, $3  }
0x3a: {  	_ = 	snop  }
0x3b: {  	_ = 	snop  }
0x3c: {  	p2 =	seq.s32 s10, $0x1;
	s10 =	sld [smem:$0x3FB6]  }
0x3d: {  	_ =	shalt  }
0x3e: {  	_ =	shalt  }
0x3f: {  	_ =	shalt  }
0x40: {  	_ =	shalt  }
0x41: {  	_ =	shalt  }
0x42: {  	_ =	shalt  }
0x43: {  	_ =	shalt  }
0x44: {  	_ =	shalt  }
0x45: {  	_ =	shalt  }
0x46: {  	_ =	shalt  }
0x47: {  	_ =	shalt  }
0x48: {  	_ =	shalt  }
0x49: {  	_ =	shalt  }
0x4a: {  	_ =	shalt  }
0x4b: {  	_ =	shalt  }
0x4c: {  	_ =	shalt  }
0x4d: {  	_ =	shalt  }
0x4e: {  	_ =	shalt  }
0x4f: {  	_ =	shalt  }
0x50: {  	_ =	shalt  }
0x51: {  	_ =	shalt  }
0x52: {  	_ =	shalt  }
0x53: {  	_ =	shalt  }
0x54: {  	_ =	shalt  }
0x55: {  	_ =	shalt  }
0x56: {  	_ =	shalt  }
0x57: {  	_ =	shalt  }
0x58: {  	_ =	shalt  }
0x59: {  	_ =	shalt  }
0x5a: {  	_ =	shalt  }
0x5b: {  	_ =	shalt  }
0x5c: {  	_ =	shalt  }
0x5d: {  	_ =	shalt  }
0x5e: {  	_ =	shalt  }
0x5f: {  	_ =	shalt  }
0x60: {  	_ =	shalt  }
0x61: {  	_ =	shalt  }
0x62: {  	_ =	shalt  }
0x63: {  	_ =	shalt  }
0x64: {  	_ =	shalt  }
0x65: {  	_ =	shalt  }
0x66: {  	_ =	shalt  }
0x67: {  	_ =	shalt  }
0x68: {  	_ =	shalt  }
0x69: {  	_ =	shalt  }
0x6a: {  	_ =	shalt  }
0x6b: {  	_ =	shalt  }
0x6c: {  	_ =	shalt  }
0x6d: {  	_ =	shalt  }
0x6e: {  	_ =	shalt  }
0x6f: {  	_ =	shalt  }
0x70: {  	_ =	shalt  }
0x71: {  	_ =	shalt  }
0x72: {  	_ =	shalt  }
0x73: {  	_ =	shalt  }
0x74: {  	_ =	shalt  }
0x75: {  	_ =	shalt  }
0x76: {  	_ =	shalt  }
0x77: {  	_ =	shalt  }
0x78: {  	_ =	shalt  }
0x79: {  	_ =	shalt  }
0x7a: {  	_ =	shalt  }
0x7b: {  	_ =	shalt  }
0x7c: {  	_ =	shalt  }
0x7d: {  	_ =	shalt  }
0x7e: {  	_ =	shalt  }
0x7f: {  	_ =	shalt  }
0x80: {  	_ =	shalt  }
0x81: {  	_ =	shalt  }
0x82: {  	_ =	shalt  }
0x83: {  	_ =	shalt  }
0x84: {  	_ =	shalt  }
0x85: {  	_ =	shalt  }
0x86: {  	_ =	shalt  }
0x87: {  	_ =	shalt  }
.Lfunc_end0:
.L_simem_size_0:
called_computation_lowered:
.L_overlay_start_0:
0x88: {  	s2 =	sld [smem:$0x3FD9]  }
0x89: {  	s3 =	sld [smem:$0x3FFE];
	_ =	sdelay $0x1  }
0x8a: {  	s1 =	srdreg.scid  }
0x8b: {  	s0 =	sand.u32 $0x1, s1  }
0x8c: {  	s17 =	sshll.u32 s0, $0xA;
	s2 =	sadd.s32 s3, s2  }
0x8d: {  	s2 =	sadd.s32 s2, s17  }
0x8e: {  	[smem:$0x3FC2] =	sst s2  }
0x8f: {  	_ = 	snop  }
0x90: {  	s2 =	sld [smem:$0x3FD0];
	(tm) =	ssettm $0x1  }
0x91: {  	s18 =	sld [smem:$0x3FFB];
	_ =	sdelay $0x3  }
0x92: {  	_ =	strace s18  }
0x93: {  	s3 =	sld [smem:$0x3FFC];
	_ =	sdelay $0x3  }
0x94: {  	_ =	strace s3  }
0x95: {  	s3 =	sld [smem:$0x3FFD];
	_ =	sdelay $0x3  }
0x96: {  	_ =	strace s3  }
0x97: {  	_ =	strace $0x8FFFFFFF  }
0x98: {  	s19 =	sld [smem:$0x3FDB];
	_ =	sdelay $0x1  }
0x99: {  	s4 =	simm.s32 $_scs_section_size  }
0x9a: {  	s5 =	simm.s32 $_size__tile_overlayer_lowered;
	s6 =	simm.s32 $_tile_overlayer_lowered  }
0x9b: {  	s22 =	simm.s32 $0x1BFF;
	s21 =	sshll.u32 s6, $0x1;
	s3 =	sadd.s32 s4, s19  }
0x9c: {  	s7 =	simm.s32 $0x0;
	s20 =	sshll.u32 s5, $0x1;
	s5 =	sadd.s32 s21, s3  }
0x9d: {  	[timem:s7], [sflag:s22] =	dma.local [hbm:s5], s20  }
0x9e: {  	_ =	swait.ge [sflag:s22], s20  }
0x9f: {  	s4 =	ssub.s32 $0x0, s20;
	[sflag:s22] =	ssyncset.done $0x0  }
0xa0: {  	[sflag:s22] =	ssyncadd.s32 s4;
	_ =	sdelay $0x1  }
0xa1: {  	s23 =	simm.s32 $0x1B8B  }
0xa2: {  	_ =	swait.ge [sflag:s23], $0x1  }
0xa3: {  	[sflag:s23] =	ssyncset.done $0x0  }
0xa4: {  	s25 =	simm.s32 $0x1B8E;
	s24 =	sld [smem:$0x3FFE];
	[sflag:s23] =	ssyncadd.s32 $0xFFFFFFFF  }
0xa5: {  	s26 =	simm.s32 $execute0_lowered;
	[smem:$0x3FD2] =	sst s25  }
0xa6: {  	s5 =	sshll.u32 s26, $0x1;
	_ =	strace $0x80000046;
	[dreg:$0x1] =	wrdreg $0xFFFFFFFF  }
0xa7: {  	s28 =	simm.s32 $_size_execute0_lowered;
	s3 =	sadd.s32 s3, s5;
	[dreg:$0x0] =	wrdreg $0x0  }
0xa8: {  	s5 =	sshll.u32 s28, $0x1;
	[dreg:$0x2] =	wrdreg s3  }
0xa9: {  	[dreg:$0x3] =	wrdreg s5  }
0xaa: {  	[dreg:$0x4] =	wrdreg $0xC0  }
0xab: {  	_ =	task [dreg:s7], $0x5FFFF  }
0xac: {  	[dreg:$0x1] =	wrdreg $0xFFFFFFFF  }
0xad: {  	[dreg:$0x0] =	wrdreg $0x60  }
0xae: {  	[dreg:$0x2] =	wrdreg s2  }
0xaf: {  	[dreg:$0x3] =	wrdreg s24  }
0xb0: {  	[dreg:$0x4] =	wrdreg $0x9  }
0xb1: {  	_ =	task.clear_ibuf [dreg:s7], $0x5FFFF;
	_ =	strace $0x90000046  }
0xb2: {  	s29 =	simm.s32 $0x9;
	_ =	strace $0x80000048  }
0xb3: {  	_ =	swait.ge [sflag:s29], $0x1  }
0xb4: {  	[sflag:s29] =	ssyncadd.s32 $0xFFFFFFFF  }
0xb5: {  	_ =	strace $0x90000048  }
0xb6: {  	_ =	sfence  }
0xb7: {  	s30 =	sld [smem:$0x0];
	_ =	sdelay $0x2  }
0xb8: {  	s31 =	sshll.u32 s1, $0xD;
	s1 =	sshrl.u32 s1, $0x2  }
0xb9: {  	s3 =	sand.u32 $0x4000, s31;
	s1 =	sadd.s32 s1, s30  }
0xba: {  	s0 =	sor.u32 s3, s0;
	s1 =	sshll.u32 s1, $0x11  }
0xbb: {  	s0 =	sor.u32 s1, s0  }
0xbc: {  	s0 =	sadd.s32 $0x8F2B, s0  }
0xbd: {  	[sflag:s0] =	ssyncadd.remote.s32 $0x1  }
0xbe: {  	_ =	sfence.sel $0xFFFF  }
0xbf: {  	[dreg:$0x0] =	wrdreg $0xFFFFFFFF;
	(pc) =	sbr.abs _section_cstart, $3  }
0xc0: {  	[dreg:$0x1] =	wrdreg $0xFFFFFFFF  }
0xc1: {  	_ =	task.clear_ibuf [dreg:s7], $0x2FFFF;
	_ =	strace $0x9FFFFFFF  }
0xc2: {  	(tm) =	ssettm $0x7FFFFFFF  }
0xc3: {  	_ =	shalt  }
tec
execute0_lowered:
.L_overlay_start_1:
0x0: {  	(tag) =	ssettag $0x1  }
0x1: {  	s0 =	srdreg.scid;
	s3 =	rddreg [dreg:$0x0]  }
0x2: {  	s5 =	rddreg [dreg:$0x1];
	s4 =	sand.u32 $0x1, s0  }
0x3: {  	s1 =	stileid.u32;
	s8 =	simm.s32 $0x0;
	s2 =	sshll.u32 s4, $0x4  }
0x4: {  	s4 =	ssub.s32 $0x2, s4;
	s6 =	sor.u32 s1, s2;
	s2 =	simm.s32 $0x0  }
0x5: {  	s7 =	sshrl.u32 s4, $0x1;
	s6 =	smul.u32 $0x500, s6;
	[smem:$0x7FF] =	sst s2  }
0x6: {  	s0 =	rddreg [dreg:$0x2];
	s7 =	ssub.s32 s4, s7;
	_ =	strace $0x80000047  }
0x7: {  	s5 =	sadd.s32 s6, s5;
	s3 =	sadd.s32 s3, s6;
	s6 =	simm.s32 $0x1  }
0x8: {  	v0 =	vimm.f32 $0.0e+00;
	v1 =	vimm.f32 $1.000000000e+00;
	s4 =	sadd.s32 $0x2000, s5;
	s5 =	smax.u32 s7, $0x1;
	s7 =	simm.s32 $0x2800  }
.LBB2_1:
0x9: {  	s9 =	simm.s32 $0x40;
	s10 =	simm.s32 $0x0  }
.LBB2_2:
0xa: {  	p0 =	sne.s32 s9, $0x9FC0;
	[tilespmem:s10+$0x2800] =	vst v0;
	s10 =	smov.u32 s9;
	s9 =	sadd.s32 $0x40, s9  }
.Ltmp0:
0xb: {  	(pc) =	sbr.rel @p0 .LBB2_2-.Ltmp0, $2  }
0xc: {  	_ =	sdelay $0x2  }
0xd: {  	s10 =	sshra.s32 s10, $0x2  }
0xe: {  	[tilespmem:s10+$0x2800] =	vst v0;
	s9 =	simm.s32 $0x0  }
0xf: {  	[tilespmem:s9], [sflag:$0x1] =	stream.linear.gather [hbm4b:s3+s9], $0x2800, $0x38;
	[tilespmem:$0x5000] =	vst v63  }
0x10: {  	_ =	swait.ge [sflag:s6], $0x2800  }
0x11: {  	[sflag:s6] =	ssyncset.done $0x0  }
0x12: {  	s10 =	simm.s32 $0x0;
	s9 =	simm.s32 $0x40;
	[sflag:s6] =	ssyncadd.s32 $0xFFFFD800  }
.LBB2_4:
0x13: {  	p0 =	sne.s32 s9, $0x9FC0;
	v2 =	vld [tilespmem:s10+$0x0];
	_ =	sdelay $0x3  }
.Ltmp1:
0x14: {  	(pc) =	sbr.rel @p0 .LBB2_4-.Ltmp1, $2  }
0x15: {  	_ =	sdelay $0x2  }
0x16: {  	s10 =	sshra.s32 s9, $0x2;
	s9 =	sadd.s32 $0x40, s9;
	[tilespmem:v2+s7+$0x0] =	vst.idx.add.f32.msk $0xffff, v1  }
0x17: {  	v2 =	vld [tilespmem:s10+$0x0];
	_ =	sdelay $0x5  }
0x18: {  	s8 =	sadd.s32 $0x1, s8  }
0x19: {  	p0 =	sne.s32 s8, s5  }
.Ltmp2:
0x1a: {  	[tilespmem:v2+s7+$0x0] =	vst.idx.add.f32.msk $0xffff, v1;
	(pc) =	sbr.rel @p0 .LBB2_1-.Ltmp2, $4  }
0x1b: {  	[hbm4b:s4+s2] =	stream.linear.scatter [tilespmem:s7], [sflag:$0x1], $0x2800, $0x38;
	[tilespmem:$0x5000] =	vst v63  }
0x1c: {  	_ =	swait.ge [sflag:s6], $0x2800  }
0x1d: {  	[sflag:s6] =	ssyncset.done $0x0  }
0x1e: {  	[sflag:s6] =	ssyncadd.s32 $0xFFFFD800  }
0x1f: {  	_ =	sfence.sel $0x180000  }
0x20: {  	[bflag:$0x0] =	sbarrier.arrive $0xFFFF  }
0x21: {  	p0 =	sne.s32 s1, $0x0;
	_ =	strace $0x90000047  }
0x22: {  	s0 =	sadd.s32 @!p0 $0x100000, s0;
	[bflag:$0x2] =	sbarrier.arrive $0xFFFF  }
0x23: {  	[sflag:s0] =	ssyncadd.tile.s32 @!p0 $0x1;
	_ =	shalt  }
.Lfunc_end2:
_tile_overlayer_lowered:
.L_overlay_start_2:
0x24: {  	(tag) =	ssettag $0x2  }
0x25: {  	s0 =	rddreg [dreg:$0x0];
	s2 =	stileid.u32  }
0x26: {  	s1 =	rddreg [dreg:$0x1];
	p0 =	sne.s32 s2, $0x0  }
0x27: {  	s3 =	rddreg [dreg:$0x2];
	[bflag:$0x3] =	sbarrier.arrive $0xFFFF;
	s2 =	simm.s32 @!p0 $0x1C01  }
0x28: {  	[timem:s3], [sflag:s2] =	dma.local @!p0 [hbm:s0], s1  }
0x29: {  	s0 =	simm.s32 @!p0 $0x1  }
0x2a: {  	_ =	swait.ge @!p0 [sflag:s0], s1  }
0x2b: {  	s1 =	ssub.s32 @!p0 $0x0, s1;
	[sflag:s0] =	ssyncset.done @!p0 $0x0  }
0x2c: {  	[sflag:s0] =	ssyncadd.s32 @!p0 s1  }
0x2d: {  	[bflag:$0x3] =	sbarrier.arrive $0xFFFF  }
0x2e: {  	_ =	shalt  }

</sc_bundles>
